<compile_context>
chip_gen: v7x
topology: tpu7x:2x2x1
jax: 0.10.2.dev20260603
libtpu: 0.0.44.dev20260713+nightly
codegen_flags: <defaults>
</compile_context>

<pallas_src>
import functools

import jax
import jax.numpy as jnp
from jax import lax
from jax.experimental import pallas as pl
from jax.experimental.pallas import tpu as pltpu
from jax.experimental.pallas import tpu_sc as plsc



def _gelu(x):
    return 0.5 * x * (1.0 + lax.erf(x * (2.0 ** -0.5)))


def _softplus(x):
    return jnp.maximum(x, 0.0) + jnp.log1p(jnp.exp(-jnp.abs(x)))



def _topk_kernel(a_ref, idx_ref, val_ref, *, k):
    v = a_ref[0]
    r, n = v.shape
    iota = lax.broadcasted_iota(jnp.int32, (r, n), 1)
    lane = lax.broadcasted_iota(jnp.int32, (r, k), 1)

    def body(t, carry):
        m, pos, vacc, iacc = carry
        avail = (v < m) | ((v == m) & (iota > pos))
        w = jnp.where(avail, v, -jnp.inf)
        m2 = jnp.max(w, axis=1, keepdims=True)
        pos2 = jnp.min(jnp.where(w == m2, iota, n), axis=1, keepdims=True)
        vacc = jnp.where(lane == t, m2, vacc)
        iacc = jnp.where(lane == t, pos2, iacc)
        return m2, pos2, vacc, iacc

    m0 = jnp.full((r, 1), jnp.inf, jnp.float32)
    p0 = jnp.full((r, 1), -1, jnp.int32)
    vacc = jnp.zeros((r, k), jnp.float32)
    iacc = jnp.zeros((r, k), jnp.int32)
    _, _, vacc, iacc = lax.fori_loop(0, k, body, (m0, p0, vacc, iacc))
    idx_ref[0] = iacc
    val_ref[0] = vacc


def _topk(a_prior, k, rblk=256):
    b, nr, n = a_prior.shape
    grid = (b, nr // rblk)
    return pl.pallas_call(
        functools.partial(_topk_kernel, k=k),
        grid=grid,
        in_specs=[pl.BlockSpec((1, rblk, n), lambda bi, ri: (bi, ri, 0))],
        out_specs=[
            pl.BlockSpec((1, rblk, k), lambda bi, ri: (bi, ri, 0)),
            pl.BlockSpec((1, rblk, k), lambda bi, ri: (bi, ri, 0)),
        ],
        out_shape=[
            jax.ShapeDtypeStruct((b, nr, k), jnp.int32),
            jax.ShapeDtypeStruct((b, nr, k), jnp.float32),
        ],
    )(a_prior)



_NEG = float("-inf")


def _topk2_kernel(a_ref, idx_ref, val_ref, *, k):
    r = a_ref.shape[1]
    n = a_ref.shape[2]
    ng = n // 128
    f32 = jnp.float32
    i32 = jnp.int32
    lane128 = lax.broadcasted_iota(i32, (r, 128), 1)
    lanek = lax.broadcasted_iota(i32, (r, k), 1)
    big = jnp.int32(n + 1)

    def build(m, pos):
        l1 = jnp.full((r, 128), _NEG, f32)
        l2 = jnp.full((r, 128), _NEG, f32)
        l3 = jnp.full((r, 128), _NEG, f32)
        l4 = jnp.full((r, 128), _NEG, f32)
        c1 = jnp.full((r, 128), big, i32)
        c2 = jnp.full((r, 128), big, i32)
        c3 = jnp.full((r, 128), big, i32)
        c4 = jnp.full((r, 128), big, i32)
        for s in range(ng):
            vs = a_ref[0, :, s * 128:(s + 1) * 128]
            fi = lane128 + (s * 128)
            avail = (vs < m) | ((vs == m) & (fi > pos))
            vsm = jnp.where(avail, vs, _NEG)
            g1 = vsm > l1
            g2 = vsm > l2
            g3 = vsm > l3
            g4 = vsm > l4
            l4n = jnp.where(g4, jnp.where(g3, l3, vsm), l4)
            c4n = jnp.where(g4, jnp.where(g3, c3, fi), c4)
            l3n = jnp.where(g3, jnp.where(g2, l2, vsm), l3)
            c3n = jnp.where(g3, jnp.where(g2, c2, fi), c3)
            l2n = jnp.where(g2, jnp.where(g1, l1, vsm), l2)
            c2n = jnp.where(g2, jnp.where(g1, c1, fi), c2)
            l1n = jnp.where(g1, vsm, l1)
            c1n = jnp.where(g1, fi, c1)
            l1, l2, l3, l4 = l1n, l2n, l3n, l4n
            c1, c2, c3, c4 = c1n, c2n, c3n, c4n
        return l1, l2, l3, l4, c1, c2, c3, c4

    stacks = build(jnp.full((r, 1), jnp.inf, f32), jnp.full((r, 1), -1, i32))
    vacc = jnp.zeros((r, k), f32)
    iacc = jnp.zeros((r, k), i32)

    def body(t, carry):
        l1, l2, l3, l4, c1, c2, c3, c4, vacc, iacc = carry
        m = jnp.max(l1, axis=1, keepdims=True)
        pos = jnp.min(jnp.where(l1 == m, c1, big), axis=1, keepdims=True)
        vacc = jnp.where(lanek == t, m, vacc)
        iacc = jnp.where(lanek == t, pos, iacc)
        oh = lane128 == jnp.bitwise_and(pos, 127)
        l1 = jnp.where(oh, l2, l1)
        c1 = jnp.where(oh, c2, c1)
        l2 = jnp.where(oh, l3, l2)
        c2 = jnp.where(oh, c3, c2)
        l3 = jnp.where(oh, l4, l3)
        c3 = jnp.where(oh, c4, c3)
        l4 = jnp.where(oh, _NEG, l4)
        c4 = jnp.where(oh, big, c4)
        exhausted = jnp.any(oh & (c1 == big))

        def rb(_):
            return build(m, pos)

        def keep(_):
            return l1, l2, l3, l4, c1, c2, c3, c4

        l1, l2, l3, l4, c1, c2, c3, c4 = lax.cond(exhausted, rb, keep, 0)
        return l1, l2, l3, l4, c1, c2, c3, c4, vacc, iacc

    out = lax.fori_loop(0, k, body, (*stacks, vacc, iacc))
    idx_ref[0] = out[9]
    val_ref[0] = out[8]


def _topk2(a_prior, k, rblk=64):
    b, nr, n = a_prior.shape
    grid = (b, nr // rblk)
    return pl.pallas_call(
        functools.partial(_topk2_kernel, k=k),
        grid=grid,
        in_specs=[pl.BlockSpec((1, rblk, n), lambda bi, ri: (bi, ri, 0))],
        out_specs=[
            pl.BlockSpec((1, rblk, k), lambda bi, ri: (bi, ri, 0)),
            pl.BlockSpec((1, rblk, k), lambda bi, ri: (bi, ri, 0)),
        ],
        out_shape=[
            jax.ShapeDtypeStruct((b, nr, k), jnp.int32),
            jax.ShapeDtypeStruct((b, nr, k), jnp.float32),
        ],
    )(a_prior)



def _pj_kernel(h_ref, pos_ref, wb_ref, wd_ref, out_ref):
    f32 = jnp.float32
    out_ref[...] = (jnp.dot(h_ref[...], wb_ref[...], preferred_element_type=f32)
                    - jnp.dot(pos_ref[...], wd_ref[...],
                              preferred_element_type=f32))


def _pj(h2d, posp, wb, wdp, *, n, rblk=256):
    bn, d = h2d.shape
    p1 = wb.shape[1]
    grid = (bn // rblk,)
    full = lambda a: pl.BlockSpec(a.shape, lambda i: tuple(0 for _ in a.shape))
    return pl.pallas_call(
        _pj_kernel,
        grid=grid,
        in_specs=[
            pl.BlockSpec((rblk, d), lambda i: (i, 0)),
            pl.BlockSpec((rblk, posp.shape[1]),
                         lambda i, _nb=n // rblk: (i % _nb, 0)),
            full(wb), full(wdp),
        ],
        out_specs=pl.BlockSpec((rblk, p1), lambda i: (i, 0)),
        out_shape=jax.ShapeDtypeStruct((bn, p1), jnp.float32),
    )(h2d, posp, wb, wdp)



def _gather_rows(table, gidx, *, width):
    (m,) = gidx.shape
    info = plsc.get_sparse_core_info()
    nw = info.num_cores * info.num_subcores
    per_w = m // nw
    ch = 128
    nch = per_w // ch
    mesh = plsc.VectorSubcoreMesh(core_axis_name="c", subcore_axis_name="s")

    @functools.partial(
        pl.kernel,
        mesh=mesh,
        out_type=jax.ShapeDtypeStruct((m, width), jnp.float32),
        scratch_types=[
            pltpu.VMEM((per_w,), jnp.int32),
            pltpu.VMEM((ch, width), jnp.float32),
            pltpu.VMEM((ch, width), jnp.float32),
            pltpu.SemaphoreType.DMA,
            pltpu.SemaphoreType.DMA,
        ],
    )
    def k(table_hbm, gidx_hbm, out_hbm, idx_v, buf0, buf1, sem0, sem1):
        wid = lax.axis_index("s") * info.num_cores + lax.axis_index("c")
        base = wid * per_w
        pltpu.sync_copy(gidx_hbm.at[pl.ds(base, per_w)], idx_v)

        def start(c, buf, sem):
            pltpu.async_copy(
                table_hbm.at[idx_v.at[pl.ds(c * ch, ch)]], buf, sem)

        def wait(c, buf, sem):
            pltpu.make_async_copy(
                table_hbm.at[idx_v.at[pl.ds(c * ch, ch)]], buf, sem).wait()

        def out(c, buf):
            pltpu.sync_copy(buf, out_hbm.at[pl.ds(base + c * ch, ch)])

        start(0, buf0, sem0)

        def body(i, _):
            c0 = 2 * i
            start(c0 + 1, buf1, sem1)
            wait(c0, buf0, sem0)
            out(c0, buf0)

            @pl.when(c0 + 2 < nch)
            def _():
                start(c0 + 2, buf0, sem0)

            wait(c0 + 1, buf1, sem1)
            out(c0 + 1, buf1)
            return 0

        lax.fori_loop(0, nch // 2, body, 0)

    return k(table, gidx)



def _mlp_kernel(hjp_ref, h_ref, pos_ref, vals_ref,
                w1a_ref, wc_ref, wd_ref, bias_ref,
                w2_ref, wm1_ref, wm2_ref, wa1_ref, wa2_ref,
                alpha_ref, u_ref, ag_ref, *, kk, dd, cc):
    rm = h_ref.shape[0]
    pb = rm * kk
    f32 = jnp.float32
    bp = bias_ref[...]
    b1v = bp[0:1, :]
    b2v = bp[1:2, 0:64]
    bm1v = bp[2:3, 0:64]
    ba1v = bp[3:4, 0:64]
    ba2v = bp[4:5, 0:cc]
    msv = bp[5:6, 0:1]
    bm2v = bp[5:6, 1:2]

    hj = hjp_ref[:, :dd]
    pjg = hjp_ref[:, dd:]
    hi_s = h_ref[...]
    pi = (jnp.dot(hi_s, w1a_ref[...], preferred_element_type=f32)
          + jnp.dot(pos_ref[...], wd_ref[...], preferred_element_type=f32)
          + b1v)
    hi = jnp.reshape(
        jnp.broadcast_to(hi_s[:, None, :], (rm, kk, dd)), (pb, dd))
    pi_rep = jnp.reshape(
        jnp.broadcast_to(pi[:, None, :], (rm, kk, pi.shape[-1])),
        (pb, pi.shape[-1]))
    z = (pi_rep + pjg
         + jnp.dot(hi * hj, wc_ref[...], preferred_element_type=f32))
    x = _gelu(z)
    pf = jnp.dot(x, w2_ref[...], preferred_element_type=f32) + b2v
    m1 = _gelu(jnp.dot(pf, wm1_ref[...], preferred_element_type=f32) + bm1v)
    mu_raw = jnp.dot(m1, wm2_ref[...], preferred_element_type=f32)[:, 0:1]
    mu_raw = mu_raw + bm2v
    mu = jnp.tanh(mu_raw) * _softplus(msv)
    a1 = _gelu(jnp.dot(pf, wa1_ref[...], preferred_element_type=f32) + ba1v)
    ar = (jnp.dot(a1, wa2_ref[...], preferred_element_type=f32)[:, 0:cc]
          + ba2v)
    alpha = jnp.clip(_softplus(ar) + 1.0, 1.01, 1000.0)
    s = jnp.sum(alpha, axis=-1, keepdims=True)
    u = jnp.minimum(jnp.float32(cc) / s, 0.999)
    ag = (vals_ref[...] + mu) * (1.0 - u)
    alpha_ref[...] = alpha
    u_ref[...] = u
    ag_ref[...] = ag


def _mlp(hjp, h2d, posp, vals_flat, w1a, wc, wdp, bias_pack,
         w2, wm1, wm2p, wa1, wa2p, *, n, kk, cc, rm=64):
    bn, d = h2d.shape
    pb = rm * kk
    grid = (bn // rm,)
    full = lambda a: pl.BlockSpec(a.shape, lambda i: tuple(0 for _ in a.shape))
    return pl.pallas_call(
        functools.partial(_mlp_kernel, kk=kk, dd=d, cc=cc),
        grid=grid,
        in_specs=[
            pl.BlockSpec((pb, hjp.shape[1]), lambda i: (i, 0)),
            pl.BlockSpec((rm, d), lambda i: (i, 0)),
            pl.BlockSpec((rm, posp.shape[1]),
                         lambda i, _nb=n // rm: (i % _nb, 0)),
            pl.BlockSpec((pb, 1), lambda i: (i, 0)),
            full(w1a), full(wc), full(wdp), full(bias_pack),
            full(w2), full(wm1), full(wm2p), full(wa1), full(wa2p),
        ],
        out_specs=[
            pl.BlockSpec((pb, cc), lambda i: (i, 0)),
            pl.BlockSpec((pb, 1), lambda i: (i, 0)),
            pl.BlockSpec((pb, 1), lambda i: (i, 0)),
        ],
        out_shape=[
            jax.ShapeDtypeStruct((bn * kk, cc), jnp.float32),
            jax.ShapeDtypeStruct((bn * kk, 1), jnp.float32),
            jax.ShapeDtypeStruct((bn * kk, 1), jnp.float32),
        ],
    )(hjp, h2d, posp, vals_flat, w1a, wc, wdp, bias_pack,
      w2, wm1, wm2p, wa1, wa2p)



def _scatter_rows(idx_flat, ag_flat, u_flat, *, bn, n, kk):
    info = plsc.get_sparse_core_info()
    nw = info.num_cores * info.num_subcores
    rw = bn // nw
    g = 8
    ngrp = rw // g
    nidx = rw * kk
    mesh = plsc.VectorSubcoreMesh(core_axis_name="c", subcore_axis_name="s")

    @functools.partial(
        pl.kernel,
        mesh=mesh,
        compiler_params=pltpu.CompilerParams(needs_layout_passes=False),
        out_type=[
            jax.ShapeDtypeStruct((bn * n,), jnp.float32),
            jax.ShapeDtypeStruct((bn * n,), jnp.float32),
        ],
        scratch_types=[
            pltpu.VMEM((nidx,), jnp.int32),
            pltpu.VMEM((nidx,), jnp.float32),
            pltpu.VMEM((nidx,), jnp.float32),
            pltpu.VMEM((g * n,), jnp.float32),
            pltpu.VMEM((g * n,), jnp.float32),
            pltpu.SemaphoreType.DMA,
            pltpu.SemaphoreType.DMA,
        ],
    )
    def k(idx_hbm, ag_hbm, uu_hbm, uout_hbm, cout_hbm,
          idx_v, ag_v, uu_v, ubuf, cbuf, usem, csem):
        wid = lax.axis_index("s") * info.num_cores + lax.axis_index("c")
        ibase = wid * nidx
        pltpu.sync_copy(idx_hbm.at[pl.ds(ibase, nidx)], idx_v)
        pltpu.sync_copy(ag_hbm.at[pl.ds(ibase, nidx)], ag_v)
        pltpu.sync_copy(uu_hbm.at[pl.ds(ibase, nidx)], uu_v)

        def zero_body(i, _):
            ubuf[pl.ds(i * 16, 16)] = jnp.zeros((16,), jnp.float32)
            cbuf[pl.ds(i * 16, 16)] = jnp.zeros((16,), jnp.float32)
            return 0

        lax.fori_loop(0, (g * n) // 16, zero_body, 0)

        nvec = kk // 16
        zv = jnp.zeros((16,), jnp.float32)

        def grp_body(gi, _):
            goff = gi * (g * kk)
            for r in range(g):
                for j in range(nvec):
                    o = goff + r * kk + j * 16
                    iv = idx_v[pl.ds(o, 16)] + r * n
                    plsc.store_scatter(ubuf, [iv], ag_v[pl.ds(o, 16)])
                    plsc.store_scatter(cbuf, [iv], uu_v[pl.ds(o, 16)])
            rbase = (wid * rw + gi * g) * n
            cu = pltpu.async_copy(
                ubuf, uout_hbm.at[pl.ds(rbase, g * n)], usem)
            cc2 = pltpu.async_copy(
                cbuf, cout_hbm.at[pl.ds(rbase, g * n)], csem)
            cu.wait()
            cc2.wait()
            for r in range(g):
                for j in range(nvec):
                    o = goff + r * kk + j * 16
                    iv = idx_v[pl.ds(o, 16)] + r * n
                    plsc.store_scatter(ubuf, [iv], zv)
                    plsc.store_scatter(cbuf, [iv], zv)
            return 0

        lax.fori_loop(0, ngrp, grp_body, 0)

    return k(idx_flat, ag_flat, u_flat)



def _sym_kernel(u_ref, ut_ref, t_ref, rs_ref, acc, *, ncb):
    ci = pl.program_id(2)
    a = u_ref[0]
    bt = ut_ref[0]
    rt = bt.shape[1]
    eye = (lax.broadcasted_iota(jnp.int32, (rt, rt), 0)
           == lax.broadcasted_iota(jnp.int32, (rt, rt), 1)).astype(jnp.float32)
    btt = lax.dot_general(bt, eye, (((0,), (0,)), ((), ())),
                          preferred_element_type=jnp.float32)
    t = jnp.maximum(a + btt, 0.0) * 0.5
    t_ref[0] = t
    part = jnp.sum(t, axis=1, keepdims=True)

    @pl.when(ci == 0)
    def _():
        acc[...] = part

    @pl.when(ci > 0)
    def _():
        acc[...] = acc[...] + part

    @pl.when(ci == ncb - 1)
    def _():
        rs_ref[0] = acc[...]


def _symmetrize(u3, *, rt=256, ct=256):
    b, n, _ = u3.shape
    ncb = n // ct
    grid = (b, n // rt, ncb)
    return pl.pallas_call(
        functools.partial(_sym_kernel, ncb=ncb),
        grid=grid,
        in_specs=[
            pl.BlockSpec((1, rt, ct), lambda bi, ri, ci: (bi, ri, ci)),
            pl.BlockSpec((1, ct, rt), lambda bi, ri, ci: (bi, ci, ri)),
        ],
        out_specs=[
            pl.BlockSpec((1, rt, ct), lambda bi, ri, ci: (bi, ri, ci)),
            pl.BlockSpec((1, rt, 1), lambda bi, ri, ci: (bi, ri, 0)),
        ],
        out_shape=[
            jax.ShapeDtypeStruct((b, n, n), jnp.float32),
            jax.ShapeDtypeStruct((b, n, 1), jnp.float32),
        ],
        scratch_shapes=[pltpu.VMEM((rt, 1), jnp.float32)],
    )(u3, u3)


def _norm_kernel(t_ref, rs_ref, out_ref):
    rs = jnp.maximum(rs_ref[0], 1e-8)
    out_ref[0] = t_ref[0] / rs


def _normalize(t3, rs3, *, rt=256, ct=256):
    b, n, _ = t3.shape
    grid = (b, n // rt, n // ct)
    return pl.pallas_call(
        _norm_kernel,
        grid=grid,
        in_specs=[
            pl.BlockSpec((1, rt, ct), lambda bi, ri, ci: (bi, ri, ci)),
            pl.BlockSpec((1, rt, 1), lambda bi, ri, ci: (bi, ri, 0)),
        ],
        out_specs=pl.BlockSpec((1, rt, ct), lambda bi, ri, ci: (bi, ri, ci)),
        out_shape=jax.ShapeDtypeStruct((b, n, n), jnp.float32),
    )(t3, rs3)




def kernel(h, positions, A_prior, W1, b1, W2, b2, Wm1, bm1, Wm2, bm2,
           Wa1, ba1, Wa2, ba2, mu_scale):
    b, n, d = h.shape
    kk = min(32, n - 1)
    cc = Wa2.shape[1]
    p1 = W1.shape[1]

    nidx, nval = _topk(A_prior, kk)

    w1a = W1[:d]
    wb = W1[d:2 * d]
    wc = W1[2 * d:3 * d]
    npos = W1.shape[0] - 3 * d
    wdp = jnp.concatenate(
        [W1[3 * d:], jnp.zeros((16 - npos, p1), jnp.float32)], axis=0)

    posp = jnp.concatenate(
        [positions, jnp.zeros((n, 16 - positions.shape[1]), jnp.float32)],
        axis=1)
    h2d = h.reshape(b * n, d)
    pj = _pj(h2d, posp, wb, wdp, n=n)

    table = jnp.concatenate([h2d, pj], axis=1)
    gidx = (nidx + (jnp.arange(b, dtype=jnp.int32) * n)[:, None, None])
    gidx = gidx.reshape(-1)

    hjp = _gather_rows(table, gidx, width=d + p1)
    bias_pack = jnp.zeros((8, p1), jnp.float32)
    bias_pack = bias_pack.at[0, :].set(b1)
    bias_pack = bias_pack.at[1, :b2.shape[0]].set(b2)
    bias_pack = bias_pack.at[2, :bm1.shape[0]].set(bm1)
    bias_pack = bias_pack.at[3, :ba1.shape[0]].set(ba1)
    bias_pack = bias_pack.at[4, :ba2.shape[0]].set(ba2)
    bias_pack = bias_pack.at[5, 0].set(mu_scale.reshape(()))
    bias_pack = bias_pack.at[5, 1].set(bm2.reshape(()))
    wm2p = jnp.concatenate(
        [Wm2, jnp.zeros((Wm2.shape[0], 8 - Wm2.shape[1]), jnp.float32)],
        axis=1)
    wa2p = jnp.concatenate(
        [Wa2, jnp.zeros((Wa2.shape[0], 8 - cc), jnp.float32)], axis=1)

    alpha_f, u_f, ag_f = _mlp(
        hjp, h2d, posp, nval.reshape(b * n * kk, 1),
        w1a, wc, wdp, bias_pack, W2, Wm1, wm2p, Wa1, wa2p,
        n=n, kk=kk, cc=cc)

    uflat, cflat = _scatter_rows(
        nidx.reshape(-1), ag_f.reshape(-1), u_f.reshape(-1),
        bn=b * n, n=n, kk=kk)

    t3, rs3 = _symmetrize(uflat.reshape(b, n, n))
    a_eff = _normalize(t3, rs3)

    uncertainty = cflat.reshape(b, n, n)
    alpha = alpha_f.reshape(b, n, kk, cc)
    return a_eff, uncertainty, alpha

# --- scband reference (transcript-rebuilt; emitter-appended) ---
"""Pipeline reference for scband-evidential-graph-learner-2954937500248 (READ-ONLY COPY).

The authoritative reference and input builder live on the scoring server;
editing this copy changes nothing except your own understanding.
"""

import jax, jax.numpy as jnp
import numpy as np

B, N, D = 2, 2048, 256
D_PAIR = 64
N_EVIDENCE = 4
TOP_K = 32


def _xavier(key, shape):
    limit = float(np.sqrt(6.0 / (shape[0] + shape[1])))
    return jax.random.uniform(key, shape, jnp.float32, -limit, limit)


def setup_inputs(seed: int = 0) -> dict:
    key = jax.random.key(seed)
    ks = jax.random.split(key, 12)
    pin = 2 * D + D + 3
    return {
        "h": jax.random.normal(ks[0], (B, N, D), jnp.float32),
        "positions": jax.random.normal(ks[1], (N, 3), jnp.float32),
        "A_prior": jax.random.uniform(ks[2], (B, N, N), jnp.float32),
        "W1": _xavier(ks[3], (pin, 2 * D_PAIR)), "b1": jnp.zeros((2 * D_PAIR,), jnp.float32),
        "W2": _xavier(ks[4], (2 * D_PAIR, D_PAIR)), "b2": jnp.zeros((D_PAIR,), jnp.float32),
        "Wm1": _xavier(ks[5], (D_PAIR, D_PAIR)), "bm1": jnp.zeros((D_PAIR,), jnp.float32),
        "Wm2": _xavier(ks[6], (D_PAIR, 1)) * 0.1, "bm2": jnp.zeros((1,), jnp.float32),
        "Wa1": _xavier(ks[7], (D_PAIR, D_PAIR)), "ba1": jnp.zeros((D_PAIR,), jnp.float32),
        "Wa2": _xavier(ks[8], (D_PAIR, N_EVIDENCE)), "ba2": jnp.zeros((N_EVIDENCE,), jnp.float32),
        "mu_scale": jnp.asarray(0.01, jnp.float32),
    }


def _forward(h, positions, A_prior, W1, b1, W2, b2, Wm1, bm1, Wm2, bm2, Wa1, ba1, Wa2, ba2, mu_scale, neighbor_idx):
    Bx, Nx, d = h.shape
    k = neighbor_idx.shape[-1]
    bidx = jnp.arange(Bx)[:, None, None]
    # gather neighbor features: equivalent to torch.gather on expanded [B,N,N,d]
    h_j = h[bidx, neighbor_idx, :]                                   # [B,N,k,d]
    h_i = jnp.broadcast_to(h[:, :, None, :], (Bx, Nx, k, d))
    pos_j = positions[neighbor_idx]                                  # [B,N,k,3]
    pos_i = jnp.broadcast_to(positions[None, :, None, :], (Bx, Nx, k, 3))
    delta_pos = pos_i - pos_j
    pair_input = jnp.concatenate([h_i, h_j, h_i * h_j, delta_pos], axis=-1)
    x = jax.nn.gelu(pair_input @ W1 + b1, approximate=False)
    pair_feat = x @ W2 + b2                                          # [B,N,k,d_pair]
    mu_raw = (jax.nn.gelu(pair_feat @ Wm1 + bm1, approximate=False) @ Wm2 + bm2)[..., 0]
    mu = jnp.tanh(mu_raw) * jax.nn.softplus(mu_scale)
    alpha = jax.nn.softplus(jax.nn.gelu(pair_feat @ Wa1 + ba1, approximate=False) @ Wa2 + ba2) + 1.0
    alpha = jnp.clip(alpha, 1.01, 1000.0)                            # [B,N,k,C]
    S = alpha.sum(-1)
    u = jnp.minimum(float(N_EVIDENCE) / S, 0.999)                    # [B,N,k]
    A_prior_vals = jnp.take_along_axis(A_prior, neighbor_idx, axis=2)
    A_raw = A_prior_vals + mu
    A_gated = A_raw * (1.0 - u)
    nidx = jnp.arange(Nx)[None, :, None]
    A_eff = jnp.zeros((Bx, Nx, Nx), h.dtype).at[bidx, nidx, neighbor_idx].set(A_gated)
    A_eff = (A_eff + jnp.swapaxes(A_eff, -1, -2)) / 2.0
    A_eff = jax.nn.relu(A_eff)
    row_sums = jnp.clip(A_eff.sum(-1, keepdims=True), 1e-08, None)
    A_eff = A_eff / row_sums
    uncertainty = jnp.zeros((Bx, Nx, Nx), h.dtype).at[bidx, nidx, neighbor_idx].set(u)
    return A_eff, uncertainty, alpha


def reference(h, positions, A_prior, W1, b1, W2, b2, Wm1, bm1, Wm2, bm2, Wa1, ba1, Wa2, ba2, mu_scale):
    k = min(TOP_K, h.shape[1] - 1)
    _, neighbor_idx = jax.lax.top_k(A_prior, k)                      # [B,N,k]
    return _forward(h, positions, A_prior, W1, b1, W2, b2, Wm1, bm1, Wm2, bm2, Wa1, ba1, Wa2, ba2, mu_scale, neighbor_idx)

if __name__ == "__main__":
    import jax
    _d = setup_inputs()
    print(jax.jit(kernel)(*tuple(_d.values())))

</pallas_src>

<mosaic_0001>
#map = affine_map<(d0, d1) -> (0, 0)>
#map1 = affine_map<(d0, d1) -> (0)>
module attributes {stable_mosaic.version = 14 : i64} {
  func.func @k(%arg0: i32, %arg1: i32, %arg2: memref<4096x384xf32, #tpu.memory_space<hbm>>, %arg3: memref<131072xi32, #tpu.memory_space<hbm>>, %arg4: memref<131072x384xf32, #tpu.memory_space<hbm>>, %arg5: memref<4096xi32, #tpu.memory_space<vmem>>, %arg6: memref<128x384xf32, #tpu.memory_space<vmem>>, %arg7: memref<128x384xf32, #tpu.memory_space<vmem>>, %arg8: memref<!tpu.dma_semaphore, #tpu.memory_space<semaphore_mem>>, %arg9: memref<!tpu.dma_semaphore, #tpu.memory_space<semaphore_mem>>) attributes {dimension_semantics = [#tpu.dimension_semantics<core_parallel>, #tpu.dimension_semantics<subcore_parallel>], iteration_bounds = array<i64: 2, 16>, scalar_prefetch = 0 : i64, scratch_operands = 5 : i64, tpu.core_type = #tpu.core_type<sc_vector_subcore>, window_params = [{transform_indices = #map}, {transform_indices = #map1}, {transform_indices = #map}]} {
    %mul3A = arith.constant 2 : i32
    %mul3A_0 = arith.muli %arg1, %mul3A : i32
    %add3A = arith.addi %mul3A_0, %arg0 : i32
    %mul3A_1 = arith.constant 4096 : i32
    %mul3A_2 = arith.muli %add3A, %mul3A_1 : i32
    "tpu.region"() ({
      %run_scoped3A = tpu.sem_alloc : memref<!tpu.dma_semaphore, #tpu.memory_space<semaphore_mem>>
      %dma_start3A_13 = tpu.memref_slice %arg3[%mul3A_2] : memref<131072xi32, #tpu.memory_space<hbm>> -> memref<4096xi32, #tpu.memory_space<hbm>>
      %dma_start3A_14 = tpu.memref_slice %arg3[%mul3A_2] : memref<131072xi32, #tpu.memory_space<hbm>> -> memref<4096xi32, #tpu.memory_space<hbm>>
      tpu.enqueue_dma source(%dma_start3A_14 : memref<4096xi32, #tpu.memory_space<hbm>>) target(%arg5 : memref<4096xi32, #tpu.memory_space<vmem>>) target_semaphore(%run_scoped3A : memref<!tpu.dma_semaphore, #tpu.memory_space<semaphore_mem>>)
      %dma_wait3A = tpu.memref_slice %arg3[%mul3A_2] : memref<131072xi32, #tpu.memory_space<hbm>> -> memref<4096xi32, #tpu.memory_space<hbm>>
      %dma_wait3A_15 = tpu.memref_slice %arg3[%mul3A_2] : memref<131072xi32, #tpu.memory_space<hbm>> -> memref<4096xi32, #tpu.memory_space<hbm>>
      tpu.wait_dma2 semaphore(%run_scoped3A : memref<!tpu.dma_semaphore, #tpu.memory_space<semaphore_mem>>) src(%dma_wait3A_15 : memref<4096xi32, #tpu.memory_space<hbm>>) dst(%arg5 : memref<4096xi32, #tpu.memory_space<vmem>>)
      tpu.yield
    }) : () -> ()
    %dma_start3A = arith.constant 0 : i32
    %dma_start3A_3 = tpu.memref_slice %arg5[%dma_start3A] : memref<4096xi32, #tpu.memory_space<vmem>> -> memref<128xi32, #tpu.memory_space<vmem>>
    %dma_start3A_4 = arith.constant 0 : i32
    %dma_start3A_5 = arith.constant 0 : i32
    %dma_start3A_6 = tpu.memref_slice %arg2[%dma_start3A_4, %dma_start3A_5] : memref<4096x384xf32, #tpu.memory_space<hbm>> -> memref<4096x384xf32, #tpu.memory_space<hbm>>
    tpu.enqueue_indirect_dma source(%dma_start3A_6 : memref<4096x384xf32, #tpu.memory_space<hbm>>) target(%arg6 : memref<128x384xf32, #tpu.memory_space<vmem>>) offsets(%dma_start3A_3 : memref<128xi32, #tpu.memory_space<vmem>>) semaphore(%arg8 : memref<!tpu.dma_semaphore, #tpu.memory_space<semaphore_mem>>)
    %scan3A = arith.constant 0 : i32
    %scan3A_7 = arith.constant 0 : i32
    %scan3A_8 = arith.constant 16 : i32
    %scan3A_9 = arith.addi %scan3A_7, %scan3A_8 : i32
    %scan3A_10 = arith.constant 1 : i32
    %scan3A_11 = scf.for %scan3A_13 = %scan3A_7 to %scan3A_9 step %scan3A_10 iter_args(%scan3A_14 = %scan3A) -> (i32)  : i32 {
      %mul3A_15 = arith.constant 2 : i32
      %mul3A_16 = arith.muli %mul3A_15, %scan3A_13 : i32
      %add3A_17 = arith.constant 1 : i32
      %add3A_18 = arith.addi %mul3A_16, %add3A_17 : i32
      %mul3A_19 = arith.constant 128 : i32
      %mul3A_20 = arith.muli %add3A_18, %mul3A_19 : i32
      %dma_start3A_21 = tpu.memref_slice %arg5[%mul3A_20] : memref<4096xi32, #tpu.memory_space<vmem>> -> memref<128xi32, #tpu.memory_space<vmem>>
      %dma_start3A_22 = arith.constant 0 : i32
      %dma_start3A_23 = arith.constant 0 : i32
      %dma_start3A_24 = tpu.memref_slice %arg2[%dma_start3A_22, %dma_start3A_23] : memref<4096x384xf32, #tpu.memory_space<hbm>> -> memref<4096x384xf32, #tpu.memory_space<hbm>>
      tpu.enqueue_indirect_dma source(%dma_start3A_24 : memref<4096x384xf32, #tpu.memory_space<hbm>>) target(%arg7 : memref<128x384xf32, #tpu.memory_space<vmem>>) offsets(%dma_start3A_21 : memref<128xi32, #tpu.memory_space<vmem>>) semaphore(%arg9 : memref<!tpu.dma_semaphore, #tpu.memory_space<semaphore_mem>>)
      %mul3A_25 = arith.constant 128 : i32
      %mul3A_26 = arith.muli %mul3A_16, %mul3A_25 : i32
      %dma_wait3A = tpu.memref_slice %arg5[%mul3A_26] : memref<4096xi32, #tpu.memory_space<vmem>> -> memref<128xi32, #tpu.memory_space<vmem>>
      %dma_wait3A_27 = arith.constant 0 : i32
      %dma_wait3A_28 = arith.constant 0 : i32
      %dma_wait3A_29 = tpu.memref_slice %arg2[%dma_wait3A_27, %dma_wait3A_28] : memref<4096x384xf32, #tpu.memory_space<hbm>> -> memref<4096x384xf32, #tpu.memory_space<hbm>>
      tpu.wait_indirect_dma semaphore(%arg8 : memref<!tpu.dma_semaphore, #tpu.memory_space<semaphore_mem>>) src(%dma_wait3A_29 : memref<4096x384xf32, #tpu.memory_space<hbm>>) dst(%arg6 : memref<128x384xf32, #tpu.memory_space<vmem>>)
      %mul3A_30 = arith.constant 128 : i32
      %mul3A_31 = arith.muli %mul3A_16, %mul3A_30 : i32
      %add3A_32 = arith.addi %mul3A_2, %mul3A_31 : i32
      "tpu.region"() ({
        %run_scoped3A = tpu.sem_alloc : memref<!tpu.dma_semaphore, #tpu.memory_space<semaphore_mem>>
        %dma_start3A_51 = arith.constant 0 : i32
        %dma_start3A_52 = tpu.memref_slice %arg4[%add3A_32, %dma_start3A_51] : memref<131072x384xf32, #tpu.memory_space<hbm>> -> memref<128x384xf32, #tpu.memory_space<hbm>>
        %dma_start3A_53 = arith.constant 0 : i32
        %dma_start3A_54 = tpu.memref_slice %arg4[%add3A_32, %dma_start3A_53] : memref<131072x384xf32, #tpu.memory_space<hbm>> -> memref<128x384xf32, #tpu.memory_space<hbm>>
        tpu.enqueue_dma source(%arg6 : memref<128x384xf32, #tpu.memory_space<vmem>>) target(%dma_start3A_54 : memref<128x384xf32, #tpu.memory_space<hbm>>) target_semaphore(%run_scoped3A : memref<!tpu.dma_semaphore, #tpu.memory_space<semaphore_mem>>)
        %dma_wait3A_55 = arith.constant 0 : i32
        %dma_wait3A_56 = tpu.memref_slice %arg4[%add3A_32, %dma_wait3A_55] : memref<131072x384xf32, #tpu.memory_space<hbm>> -> memref<128x384xf32, #tpu.memory_space<hbm>>
        %dma_wait3A_57 = arith.constant 0 : i32
        %dma_wait3A_58 = tpu.memref_slice %arg4[%add3A_32, %dma_wait3A_57] : memref<131072x384xf32, #tpu.memory_space<hbm>> -> memref<128x384xf32, #tpu.memory_space<hbm>>
        tpu.wait_dma2 semaphore(%run_scoped3A : memref<!tpu.dma_semaphore, #tpu.memory_space<semaphore_mem>>) src(%arg6 : memref<128x384xf32, #tpu.memory_space<vmem>>) dst(%dma_wait3A_58 : memref<128x384xf32, #tpu.memory_space<hbm>>)
        tpu.yield
      }) : () -> ()
      %add3A_33 = arith.constant 2 : i32
      %add3A_34 = arith.addi %mul3A_16, %add3A_33 : i32
      %lt3A = arith.constant 32 : i32
      %lt3A_35 = arith.cmpi slt, %add3A_34, %lt3A : i32
      %convert_element_type3A = arith.extui %lt3A_35 : i1 to i32
      %cond3A = arith.constant 0 : i32
      %cond3A_36 = arith.cmpi ne, %convert_element_type3A, %cond3A : i32
      scf.if %cond3A_36 {
        %add3A_51 = arith.constant 2 : i32
        %add3A_52 = arith.addi %mul3A_16, %add3A_51 : i32
        %mul3A_53 = arith.constant 128 : i32
        %mul3A_54 = arith.muli %add3A_52, %mul3A_53 : i32
        %dma_start3A_55 = tpu.memref_slice %arg5[%mul3A_54] : memref<4096xi32, #tpu.memory_space<vmem>> -> memref<128xi32, #tpu.memory_space<vmem>>
        %dma_start3A_56 = arith.constant 0 : i32
        %dma_start3A_57 = arith.constant 0 : i32
        %dma_start3A_58 = tpu.memref_slice %arg2[%dma_start3A_56, %dma_start3A_57] : memref<4096x384xf32, #tpu.memory_space<hbm>> -> memref<4096x384xf32, #tpu.memory_space<hbm>>
        tpu.enqueue_indirect_dma source(%dma_start3A_58 : memref<4096x384xf32, #tpu.memory_space<hbm>>) target(%arg6 : memref<128x384xf32, #tpu.memory_space<vmem>>) offsets(%dma_start3A_55 : memref<128xi32, #tpu.memory_space<vmem>>) semaphore(%arg8 : memref<!tpu.dma_semaphore, #tpu.memory_space<semaphore_mem>>)
      } else {
      }
      %add3A_37 = arith.constant 1 : i32
      %add3A_38 = arith.addi %mul3A_16, %add3A_37 : i32
      %mul3A_39 = arith.constant 128 : i32
      %mul3A_40 = arith.muli %add3A_38, %mul3A_39 : i32
      %dma_wait3A_41 = tpu.memref_slice %arg5[%mul3A_40] : memref<4096xi32, #tpu.memory_space<vmem>> -> memref<128xi32, #tpu.memory_space<vmem>>
      %dma_wait3A_42 = arith.constant 0 : i32
      %dma_wait3A_43 = arith.constant 0 : i32
      %dma_wait3A_44 = tpu.memref_slice %arg2[%dma_wait3A_42, %dma_wait3A_43] : memref<4096x384xf32, #tpu.memory_space<hbm>> -> memref<4096x384xf32, #tpu.memory_space<hbm>>
      tpu.wait_indirect_dma semaphore(%arg9 : memref<!tpu.dma_semaphore, #tpu.memory_space<semaphore_mem>>) src(%dma_wait3A_44 : memref<4096x384xf32, #tpu.memory_space<hbm>>) dst(%arg7 : memref<128x384xf32, #tpu.memory_space<vmem>>)
      %add3A_45 = arith.constant 1 : i32
      %add3A_46 = arith.addi %mul3A_16, %add3A_45 : i32
      %mul3A_47 = arith.constant 128 : i32
      %mul3A_48 = arith.muli %add3A_46, %mul3A_47 : i32
      %add3A_49 = arith.addi %mul3A_2, %mul3A_48 : i32
      "tpu.region"() ({
        %run_scoped3A = tpu.sem_alloc : memref<!tpu.dma_semaphore, #tpu.memory_space<semaphore_mem>>
        %dma_start3A_51 = arith.constant 0 : i32
        %dma_start3A_52 = tpu.memref_slice %arg4[%add3A_49, %dma_start3A_51] : memref<131072x384xf32, #tpu.memory_space<hbm>> -> memref<128x384xf32, #tpu.memory_space<hbm>>
        %dma_start3A_53 = arith.constant 0 : i32
        %dma_start3A_54 = tpu.memref_slice %arg4[%add3A_49, %dma_start3A_53] : memref<131072x384xf32, #tpu.memory_space<hbm>> -> memref<128x384xf32, #tpu.memory_space<hbm>>
        tpu.enqueue_dma source(%arg7 : memref<128x384xf32, #tpu.memory_space<vmem>>) target(%dma_start3A_54 : memref<128x384xf32, #tpu.memory_space<hbm>>) target_semaphore(%run_scoped3A : memref<!tpu.dma_semaphore, #tpu.memory_space<semaphore_mem>>)
        %dma_wait3A_55 = arith.constant 0 : i32
        %dma_wait3A_56 = tpu.memref_slice %arg4[%add3A_49, %dma_wait3A_55] : memref<131072x384xf32, #tpu.memory_space<hbm>> -> memref<128x384xf32, #tpu.memory_space<hbm>>
        %dma_wait3A_57 = arith.constant 0 : i32
        %dma_wait3A_58 = tpu.memref_slice %arg4[%add3A_49, %dma_wait3A_57] : memref<131072x384xf32, #tpu.memory_space<hbm>> -> memref<128x384xf32, #tpu.memory_space<hbm>>
        tpu.wait_dma2 semaphore(%run_scoped3A : memref<!tpu.dma_semaphore, #tpu.memory_space<semaphore_mem>>) src(%arg7 : memref<128x384xf32, #tpu.memory_space<vmem>>) dst(%dma_wait3A_58 : memref<128x384xf32, #tpu.memory_space<hbm>>)
        tpu.yield
      }) : () -> ()
      %scan3A_50 = arith.constant 0 : i32
      scf.yield %scan3A_50 : i32
    }
    %scan3A_12 = arith.constant 16 : i32
    return
  }
}

#map = affine_map<(d0, d1) -> (0)>
module attributes {stable_mosaic.version = 14 : i64} {
  func.func @k(%arg0: i32, %arg1: i32, %arg2: memref<131072xi32, #tpu.memory_space<hbm>>, %arg3: memref<131072xf32, #tpu.memory_space<hbm>>, %arg4: memref<131072xf32, #tpu.memory_space<hbm>>, %arg5: memref<8388608xf32, #tpu.memory_space<hbm>>, %arg6: memref<8388608xf32, #tpu.memory_space<hbm>>, %arg7: memref<4096xi32, #tpu.memory_space<vmem>>, %arg8: memref<4096xf32, #tpu.memory_space<vmem>>, %arg9: memref<4096xf32, #tpu.memory_space<vmem>>, %arg10: memref<16384xf32, #tpu.memory_space<vmem>>, %arg11: memref<16384xf32, #tpu.memory_space<vmem>>, %arg12: memref<!tpu.dma_semaphore, #tpu.memory_space<semaphore_mem>>, %arg13: memref<!tpu.dma_semaphore, #tpu.memory_space<semaphore_mem>>) attributes {dimension_semantics = [#tpu.dimension_semantics<core_parallel>, #tpu.dimension_semantics<subcore_parallel>], iteration_bounds = array<i64: 2, 16>, scalar_prefetch = 0 : i64, scratch_operands = 7 : i64, tpu.core_type = #tpu.core_type<sc_vector_subcore>, window_params = [{transform_indices = #map}, {transform_indices = #map}, {transform_indices = #map}, {transform_indices = #map}, {transform_indices = #map}]} {
    %mul3A = arith.constant 2 : i32
    %mul3A_0 = arith.muli %arg1, %mul3A : i32
    %add3A = arith.addi %mul3A_0, %arg0 : i32
    %mul3A_1 = arith.constant 4096 : i32
    %mul3A_2 = arith.muli %add3A, %mul3A_1 : i32
    "tpu.region"() ({
      %run_scoped3A = tpu.sem_alloc : memref<!tpu.dma_semaphore, #tpu.memory_space<semaphore_mem>>
      %dma_start3A = tpu.memref_slice %arg2[%mul3A_2] : memref<131072xi32, #tpu.memory_space<hbm>> -> memref<4096xi32, #tpu.memory_space<hbm>>
      %dma_start3A_17 = tpu.memref_slice %arg2[%mul3A_2] : memref<131072xi32, #tpu.memory_space<hbm>> -> memref<4096xi32, #tpu.memory_space<hbm>>
      tpu.enqueue_dma source(%dma_start3A_17 : memref<4096xi32, #tpu.memory_space<hbm>>) target(%arg7 : memref<4096xi32, #tpu.memory_space<vmem>>) target_semaphore(%run_scoped3A : memref<!tpu.dma_semaphore, #tpu.memory_space<semaphore_mem>>)
      %dma_wait3A = tpu.memref_slice %arg2[%mul3A_2] : memref<131072xi32, #tpu.memory_space<hbm>> -> memref<4096xi32, #tpu.memory_space<hbm>>
      %dma_wait3A_18 = tpu.memref_slice %arg2[%mul3A_2] : memref<131072xi32, #tpu.memory_space<hbm>> -> memref<4096xi32, #tpu.memory_space<hbm>>
      tpu.wait_dma2 semaphore(%run_scoped3A : memref<!tpu.dma_semaphore, #tpu.memory_space<semaphore_mem>>) src(%dma_wait3A_18 : memref<4096xi32, #tpu.memory_space<hbm>>) dst(%arg7 : memref<4096xi32, #tpu.memory_space<vmem>>)
      tpu.yield
    }) : () -> ()
    "tpu.region"() ({
      %run_scoped3A = tpu.sem_alloc : memref<!tpu.dma_semaphore, #tpu.memory_space<semaphore_mem>>
      %dma_start3A = tpu.memref_slice %arg3[%mul3A_2] : memref<131072xf32, #tpu.memory_space<hbm>> -> memref<4096xf32, #tpu.memory_space<hbm>>
      %dma_start3A_17 = tpu.memref_slice %arg3[%mul3A_2] : memref<131072xf32, #tpu.memory_space<hbm>> -> memref<4096xf32, #tpu.memory_space<hbm>>
      tpu.enqueue_dma source(%dma_start3A_17 : memref<4096xf32, #tpu.memory_space<hbm>>) target(%arg8 : memref<4096xf32, #tpu.memory_space<vmem>>) target_semaphore(%run_scoped3A : memref<!tpu.dma_semaphore, #tpu.memory_space<semaphore_mem>>)
      %dma_wait3A = tpu.memref_slice %arg3[%mul3A_2] : memref<131072xf32, #tpu.memory_space<hbm>> -> memref<4096xf32, #tpu.memory_space<hbm>>
      %dma_wait3A_18 = tpu.memref_slice %arg3[%mul3A_2] : memref<131072xf32, #tpu.memory_space<hbm>> -> memref<4096xf32, #tpu.memory_space<hbm>>
      tpu.wait_dma2 semaphore(%run_scoped3A : memref<!tpu.dma_semaphore, #tpu.memory_space<semaphore_mem>>) src(%dma_wait3A_18 : memref<4096xf32, #tpu.memory_space<hbm>>) dst(%arg8 : memref<4096xf32, #tpu.memory_space<vmem>>)
      tpu.yield
    }) : () -> ()
    "tpu.region"() ({
      %run_scoped3A = tpu.sem_alloc : memref<!tpu.dma_semaphore, #tpu.memory_space<semaphore_mem>>
      %dma_start3A = tpu.memref_slice %arg4[%mul3A_2] : memref<131072xf32, #tpu.memory_space<hbm>> -> memref<4096xf32, #tpu.memory_space<hbm>>
      %dma_start3A_17 = tpu.memref_slice %arg4[%mul3A_2] : memref<131072xf32, #tpu.memory_space<hbm>> -> memref<4096xf32, #tpu.memory_space<hbm>>
      tpu.enqueue_dma source(%dma_start3A_17 : memref<4096xf32, #tpu.memory_space<hbm>>) target(%arg9 : memref<4096xf32, #tpu.memory_space<vmem>>) target_semaphore(%run_scoped3A : memref<!tpu.dma_semaphore, #tpu.memory_space<semaphore_mem>>)
      %dma_wait3A = tpu.memref_slice %arg4[%mul3A_2] : memref<131072xf32, #tpu.memory_space<hbm>> -> memref<4096xf32, #tpu.memory_space<hbm>>
      %dma_wait3A_18 = tpu.memref_slice %arg4[%mul3A_2] : memref<131072xf32, #tpu.memory_space<hbm>> -> memref<4096xf32, #tpu.memory_space<hbm>>
      tpu.wait_dma2 semaphore(%run_scoped3A : memref<!tpu.dma_semaphore, #tpu.memory_space<semaphore_mem>>) src(%dma_wait3A_18 : memref<4096xf32, #tpu.memory_space<hbm>>) dst(%arg9 : memref<4096xf32, #tpu.memory_space<vmem>>)
      tpu.yield
    }) : () -> ()
    %scan3A = arith.constant 0 : i32
    %scan3A_3 = arith.constant 0 : i32
    %scan3A_4 = arith.constant 1024 : i32
    %scan3A_5 = arith.addi %scan3A_3, %scan3A_4 : i32
    %scan3A_6 = arith.constant 1 : i32
    %scan3A_7 = scf.for %scan3A_17 = %scan3A_3 to %scan3A_5 step %scan3A_6 iter_args(%scan3A_18 = %scan3A) -> (i32)  : i32 {
      %broadcast_in_dim3A_19 = arith.constant 0.000000e+00 : f32
      %broadcast_in_dim3A_20 = vector.broadcast %broadcast_in_dim3A_19 : f32 to vector<16xf32>
      %mul3A_21 = arith.constant 16 : i32
      %mul3A_22 = arith.muli %scan3A_17, %mul3A_21 : i32
      %swap3A = arith.index_cast %mul3A_22 : i32 to index
      %swap3A_23 = tpu.vector_load %arg10[%swap3A] {strides = array<i32>} : memref<16384xf32, #tpu.memory_space<vmem>>, vector<16xf32>,
      tpu.vector_store %arg10[%swap3A], %broadcast_in_dim3A_20 {strides = array<i32>} : memref<16384xf32, #tpu.memory_space<vmem>>, vector<16xf32>,
      %broadcast_in_dim3A_24 = arith.constant 0.000000e+00 : f32
      %broadcast_in_dim3A_25 = vector.broadcast %broadcast_in_dim3A_24 : f32 to vector<16xf32>
      %mul3A_26 = arith.constant 16 : i32
      %mul3A_27 = arith.muli %scan3A_17, %mul3A_26 : i32
      %swap3A_28 = arith.index_cast %mul3A_27 : i32 to index
      %swap3A_29 = tpu.vector_load %arg11[%swap3A_28] {strides = array<i32>} : memref<16384xf32, #tpu.memory_space<vmem>>, vector<16xf32>,
      tpu.vector_store %arg11[%swap3A_28], %broadcast_in_dim3A_25 {strides = array<i32>} : memref<16384xf32, #tpu.memory_space<vmem>>, vector<16xf32>,
      %scan3A_30 = arith.constant 0 : i32
      scf.yield %scan3A_30 : i32
    }
    %scan3A_8 = arith.constant 1024 : i32
    %broadcast_in_dim3A = arith.constant 0.000000e+00 : f32
    %broadcast_in_dim3A_9 = vector.broadcast %broadcast_in_dim3A : f32 to vector<16xf32>
    %scan3A_10 = arith.constant 0 : i32
    %scan3A_11 = arith.constant 0 : i32
    %scan3A_12 = arith.constant 16 : i32
    %scan3A_13 = arith.addi %scan3A_11, %scan3A_12 : i32
    %scan3A_14 = arith.constant 1 : i32
    %scan3A_15 = scf.for %scan3A_17 = %scan3A_11 to %scan3A_13 step %scan3A_14 iter_args(%scan3A_18 = %scan3A_10) -> (i32)  : i32 {
      %mul3A_19 = arith.constant 256 : i32
      %mul3A_20 = arith.muli %scan3A_17, %mul3A_19 : i32
      %add3A_21 = arith.constant 0 : i32
      %add3A_22 = arith.addi %mul3A_20, %add3A_21 : i32
      %add3A_23 = arith.constant 0 : i32
      %add3A_24 = arith.addi %add3A_22, %add3A_23 : i32
      %get3A = arith.index_cast %add3A_24 : i32 to index
      %get3A_25 = tpu.vector_load %arg7[%get3A] {strides = array<i32>} : memref<4096xi32, #tpu.memory_space<vmem>>, vector<16xi32>,
      %add3A_26 = arith.constant 0 : i32
      %add3A_27 = vector.broadcast %add3A_26 : i32 to vector<16xi32>
      %add3A_28 = arith.addi %get3A_25, %add3A_27 : vector<16xi32>
      %get3A_29 = arith.index_cast %add3A_24 : i32 to index
      %get3A_30 = tpu.vector_load %arg8[%get3A_29] {strides = array<i32>} : memref<4096xf32, #tpu.memory_space<vmem>>, vector<16xf32>,
      tpu.vector_store_idx %arg10[%add3A_28], %get3A_30 : memref<16384xf32, #tpu.memory_space<vmem>>[vector<16xi32>], vector<16xf32>,
      %get3A_31 = arith.index_cast %add3A_24 : i32 to index
      %get3A_32 = tpu.vector_load %arg9[%get3A_31] {strides = array<i32>} : memref<4096xf32, #tpu.memory_space<vmem>>, vector<16xf32>,
      tpu.vector_store_idx %arg11[%add3A_28], %get3A_32 : memref<16384xf32, #tpu.memory_space<vmem>>[vector<16xi32>], vector<16xf32>,
      %add3A_33 = arith.constant 0 : i32
      %add3A_34 = arith.addi %mul3A_20, %add3A_33 : i32
      %add3A_35 = arith.constant 16 : i32
      %add3A_36 = arith.addi %add3A_34, %add3A_35 : i32
      %get3A_37 = arith.index_cast %add3A_36 : i32 to index
      %get3A_38 = tpu.vector_load %arg7[%get3A_37] {strides = array<i32>} : memref<4096xi32, #tpu.memory_space<vmem>>, vector<16xi32>,
      %add3A_39 = arith.constant 0 : i32
      %add3A_40 = vector.broadcast %add3A_39 : i32 to vector<16xi32>
      %add3A_41 = arith.addi %get3A_38, %add3A_40 : vector<16xi32>
      %get3A_42 = arith.index_cast %add3A_36 : i32 to index
      %get3A_43 = tpu.vector_load %arg8[%get3A_42] {strides = array<i32>} : memref<4096xf32, #tpu.memory_space<vmem>>, vector<16xf32>,
      tpu.vector_store_idx %arg10[%add3A_41], %get3A_43 : memref<16384xf32, #tpu.memory_space<vmem>>[vector<16xi32>], vector<16xf32>,
      %get3A_44 = arith.index_cast %add3A_36 : i32 to index
      %get3A_45 = tpu.vector_load %arg9[%get3A_44] {strides = array<i32>} : memref<4096xf32, #tpu.memory_space<vmem>>, vector<16xf32>,
      tpu.vector_store_idx %arg11[%add3A_41], %get3A_45 : memref<16384xf32, #tpu.memory_space<vmem>>[vector<16xi32>], vector<16xf32>,
      %add3A_46 = arith.constant 32 : i32
      %add3A_47 = arith.addi %mul3A_20, %add3A_46 : i32
      %add3A_48 = arith.constant 0 : i32
      %add3A_49 = arith.addi %add3A_47, %add3A_48 : i32
      %get3A_50 = arith.index_cast %add3A_49 : i32 to index
      %get3A_51 = tpu.vector_load %arg7[%get3A_50] {strides = array<i32>} : memref<4096xi32, #tpu.memory_space<vmem>>, vector<16xi32>,
      %add3A_52 = arith.constant 2048 : i32
      %add3A_53 = vector.broadcast %add3A_52 : i32 to vector<16xi32>
      %add3A_54 = arith.addi %get3A_51, %add3A_53 : vector<16xi32>
      %get3A_55 = arith.index_cast %add3A_49 : i32 to index
      %get3A_56 = tpu.vector_load %arg8[%get3A_55] {strides = array<i32>} : memref<4096xf32, #tpu.memory_space<vmem>>, vector<16xf32>,
      tpu.vector_store_idx %arg10[%add3A_54], %get3A_56 : memref<16384xf32, #tpu.memory_space<vmem>>[vector<16xi32>], vector<16xf32>,
      %get3A_57 = arith.index_cast %add3A_49 : i32 to index
      %get3A_58 = tpu.vector_load %arg9[%get3A_57] {strides = array<i32>} : memref<4096xf32, #tpu.memory_space<vmem>>, vector<16xf32>,
      tpu.vector_store_idx %arg11[%add3A_54], %get3A_58 : memref<16384xf32, #tpu.memory_space<vmem>>[vector<16xi32>], vector<16xf32>,
      %add3A_59 = arith.constant 32 : i32
      %add3A_60 = arith.addi %mul3A_20, %add3A_59 : i32
      %add3A_61 = arith.constant 16 : i32
      %add3A_62 = arith.addi %add3A_60, %add3A_61 : i32
      %get3A_63 = arith.index_cast %add3A_62 : i32 to index
      %get3A_64 = tpu.vector_load %arg7[%get3A_63] {strides = array<i32>} : memref<4096xi32, #tpu.memory_space<vmem>>, vector<16xi32>,
      %add3A_65 = arith.constant 2048 : i32
      %add3A_66 = vector.broadcast %add3A_65 : i32 to vector<16xi32>
      %add3A_67 = arith.addi %get3A_64, %add3A_66 : vector<16xi32>
      %get3A_68 = arith.index_cast %add3A_62 : i32 to index
      %get3A_69 = tpu.vector_load %arg8[%get3A_68] {strides = array<i32>} : memref<4096xf32, #tpu.memory_space<vmem>>, vector<16xf32>,
      tpu.vector_store_idx %arg10[%add3A_67], %get3A_69 : memref<16384xf32, #tpu.memory_space<vmem>>[vector<16xi32>], vector<16xf32>,
      %get3A_70 = arith.index_cast %add3A_62 : i32 to index
      %get3A_71 = tpu.vector_load %arg9[%get3A_70] {strides = array<i32>} : memref<4096xf32, #tpu.memory_space<vmem>>, vector<16xf32>,
      tpu.vector_store_idx %arg11[%add3A_67], %get3A_71 : memref<16384xf32, #tpu.memory_space<vmem>>[vector<16xi32>], vector<16xf32>,
      %add3A_72 = arith.constant 64 : i32
      %add3A_73 = arith.addi %mul3A_20, %add3A_72 : i32
      %add3A_74 = arith.constant 0 : i32
      %add3A_75 = arith.addi %add3A_73, %add3A_74 : i32
      %get3A_76 = arith.index_cast %add3A_75 : i32 to index
      %get3A_77 = tpu.vector_load %arg7[%get3A_76] {strides = array<i32>} : memref<4096xi32, #tpu.memory_space<vmem>>, vector<16xi32>,
      %add3A_78 = arith.constant 4096 : i32
      %add3A_79 = vector.broadcast %add3A_78 : i32 to vector<16xi32>
      %add3A_80 = arith.addi %get3A_77, %add3A_79 : vector<16xi32>
      %get3A_81 = arith.index_cast %add3A_75 : i32 to index
      %get3A_82 = tpu.vector_load %arg8[%get3A_81] {strides = array<i32>} : memref<4096xf32, #tpu.memory_space<vmem>>, vector<16xf32>,
      tpu.vector_store_idx %arg10[%add3A_80], %get3A_82 : memref<16384xf32, #tpu.memory_space<vmem>>[vector<16xi32>], vector<16xf32>,
      %get3A_83 = arith.index_cast %add3A_75 : i32 to index
      %get3A_84 = tpu.vector_load %arg9[%get3A_83] {strides = array<i32>} : memref<4096xf32, #tpu.memory_space<vmem>>, vector<16xf32>,
      tpu.vector_store_idx %arg11[%add3A_80], %get3A_84 : memref<16384xf32, #tpu.memory_space<vmem>>[vector<16xi32>], vector<16xf32>,
      %add3A_85 = arith.constant 64 : i32
      %add3A_86 = arith.addi %mul3A_20, %add3A_85 : i32
      %add3A_87 = arith.constant 16 : i32
      %add3A_88 = arith.addi %add3A_86, %add3A_87 : i32
      %get3A_89 = arith.index_cast %add3A_88 : i32 to index
      %get3A_90 = tpu.vector_load %arg7[%get3A_89] {strides = array<i32>} : memref<4096xi32, #tpu.memory_space<vmem>>, vector<16xi32>,
      %add3A_91 = arith.constant 4096 : i32
      %add3A_92 = vector.broadcast %add3A_91 : i32 to vector<16xi32>
      %add3A_93 = arith.addi %get3A_90, %add3A_92 : vector<16xi32>
      %get3A_94 = arith.index_cast %add3A_88 : i32 to index
      %get3A_95 = tpu.vector_load %arg8[%get3A_94] {strides = array<i32>} : memref<4096xf32, #tpu.memory_space<vmem>>, vector<16xf32>,
      tpu.vector_store_idx %arg10[%add3A_93], %get3A_95 : memref<16384xf32, #tpu.memory_space<vmem>>[vector<16xi32>], vector<16xf32>,
      %get3A_96 = arith.index_cast %add3A_88 : i32 to index
      %get3A_97 = tpu.vector_load %arg9[%get3A_96] {strides = array<i32>} : memref<4096xf32, #tpu.memory_space<vmem>>, vector<16xf32>,
      tpu.vector_store_idx %arg11[%add3A_93], %get3A_97 : memref<16384xf32, #tpu.memory_space<vmem>>[vector<16xi32>], vector<16xf32>,
      %add3A_98 = arith.constant 96 : i32
      %add3A_99 = arith.addi %mul3A_20, %add3A_98 : i32
      %add3A_100 = arith.constant 0 : i32
      %add3A_101 = arith.addi %add3A_99, %add3A_100 : i32
      %get3A_102 = arith.index_cast %add3A_101 : i32 to index
      %get3A_103 = tpu.vector_load %arg7[%get3A_102] {strides = array<i32>} : memref<4096xi32, #tpu.memory_space<vmem>>, vector<16xi32>,
      %add3A_104 = arith.constant 6144 : i32
      %add3A_105 = vector.broadcast %add3A_104 : i32 to vector<16xi32>
      %add3A_106 = arith.addi %get3A_103, %add3A_105 : vector<16xi32>
      %get3A_107 = arith.index_cast %add3A_101 : i32 to index
      %get3A_108 = tpu.vector_load %arg8[%get3A_107] {strides = array<i32>} : memref<4096xf32, #tpu.memory_space<vmem>>, vector<16xf32>,
      tpu.vector_store_idx %arg10[%add3A_106], %get3A_108 : memref<16384xf32, #tpu.memory_space<vmem>>[vector<16xi32>], vector<16xf32>,
      %get3A_109 = arith.index_cast %add3A_101 : i32 to index
      %get3A_110 = tpu.vector_load %arg9[%get3A_109] {strides = array<i32>} : memref<4096xf32, #tpu.memory_space<vmem>>, vector<16xf32>,
      tpu.vector_store_idx %arg11[%add3A_106], %get3A_110 : memref<16384xf32, #tpu.memory_space<vmem>>[vector<16xi32>], vector<16xf32>,
      %add3A_111 = arith.constant 96 : i32
      %add3A_112 = arith.addi %mul3A_20, %add3A_111 : i32
      %add3A_113 = arith.constant 16 : i32
      %add3A_114 = arith.addi %add3A_112, %add3A_113 : i32
      %get3A_115 = arith.index_cast %add3A_114 : i32 to index
      %get3A_116 = tpu.vector_load %arg7[%get3A_115] {strides = array<i32>} : memref<4096xi32, #tpu.memory_space<vmem>>, vector<16xi32>,
      %add3A_117 = arith.constant 6144 : i32
      %add3A_118 = vector.broadcast %add3A_117 : i32 to vector<16xi32>
      %add3A_119 = arith.addi %get3A_116, %add3A_118 : vector<16xi32>
      %get3A_120 = arith.index_cast %add3A_114 : i32 to index
      %get3A_121 = tpu.vector_load %arg8[%get3A_120] {strides = array<i32>} : memref<4096xf32, #tpu.memory_space<vmem>>, vector<16xf32>,
      tpu.vector_store_idx %arg10[%add3A_119], %get3A_121 : memref<16384xf32, #tpu.memory_space<vmem>>[vector<16xi32>], vector<16xf32>,
      %get3A_122 = arith.index_cast %add3A_114 : i32 to index
      %get3A_123 = tpu.vector_load %arg9[%get3A_122] {strides = array<i32>} : memref<4096xf32, #tpu.memory_space<vmem>>, vector<16xf32>,
      tpu.vector_store_idx %arg11[%add3A_119], %get3A_123 : memref<16384xf32, #tpu.memory_space<vmem>>[vector<16xi32>], vector<16xf32>,
      %add3A_124 = arith.constant 128 : i32
      %add3A_125 = arith.addi %mul3A_20, %add3A_124 : i32
      %add3A_126 = arith.constant 0 : i32
      %add3A_127 = arith.addi %add3A_125, %add3A_126 : i32
      %get3A_128 = arith.index_cast %add3A_127 : i32 to index
      %get3A_129 = tpu.vector_load %arg7[%get3A_128] {strides = array<i32>} : memref<4096xi32, #tpu.memory_space<vmem>>, vector<16xi32>,
      %add3A_130 = arith.constant 8192 : i32
      %add3A_131 = vector.broadcast %add3A_130 : i32 to vector<16xi32>
      %add3A_132 = arith.addi %get3A_129, %add3A_131 : vector<16xi32>
      %get3A_133 = arith.index_cast %add3A_127 : i32 to index
      %get3A_134 = tpu.vector_load %arg8[%get3A_133] {strides = array<i32>} : memref<4096xf32, #tpu.memory_space<vmem>>, vector<16xf32>,
      tpu.vector_store_idx %arg10[%add3A_132], %get3A_134 : memref<16384xf32, #tpu.memory_space<vmem>>[vector<16xi32>], vector<16xf32>,
      %get3A_135 = arith.index_cast %add3A_127 : i32 to index
      %get3A_136 = tpu.vector_load %arg9[%get3A_135] {strides = array<i32>} : memref<4096xf32, #tpu.memory_space<vmem>>, vector<16xf32>,
      tpu.vector_store_idx %arg11[%add3A_132], %get3A_136 : memref<16384xf32, #tpu.memory_space<vmem>>[vector<16xi32>], vector<16xf32>,
      %add3A_137 = arith.constant 128 : i32
      %add3A_138 = arith.addi %mul3A_20, %add3A_137 : i32
      %add3A_139 = arith.constant 16 : i32
      %add3A_140 = arith.addi %add3A_138, %add3A_139 : i32
      %get3A_141 = arith.index_cast %add3A_140 : i32 to index
      %get3A_142 = tpu.vector_load %arg7[%get3A_141] {strides = array<i32>} : memref<4096xi32, #tpu.memory_space<vmem>>, vector<16xi32>,
      %add3A_143 = arith.constant 8192 : i32
      %add3A_144 = vector.broadcast %add3A_143 : i32 to vector<16xi32>
      %add3A_145 = arith.addi %get3A_142, %add3A_144 : vector<16xi32>
      %get3A_146 = arith.index_cast %add3A_140 : i32 to index
      %get3A_147 = tpu.vector_load %arg8[%get3A_146] {strides = array<i32>} : memref<4096xf32, #tpu.memory_space<vmem>>, vector<16xf32>,
      tpu.vector_store_idx %arg10[%add3A_145], %get3A_147 : memref<16384xf32, #tpu.memory_space<vmem>>[vector<16xi32>], vector<16xf32>,
      %get3A_148 = arith.index_cast %add3A_140 : i32 to index
      %get3A_149 = tpu.vector_load %arg9[%get3A_148] {strides = array<i32>} : memref<4096xf32, #tpu.memory_space<vmem>>, vector<16xf32>,
      tpu.vector_store_idx %arg11[%add3A_145], %get3A_149 : memref<16384xf32, #tpu.memory_space<vmem>>[vector<16xi32>], vector<16xf32>,
      %add3A_150 = arith.constant 160 : i32
      %add3A_151 = arith.addi %mul3A_20, %add3A_150 : i32
      %add3A_152 = arith.constant 0 : i32
      %add3A_153 = arith.addi %add3A_151, %add3A_152 : i32
      %get3A_154 = arith.index_cast %add3A_153 : i32 to index
      %get3A_155 = tpu.vector_load %arg7[%get3A_154] {strides = array<i32>} : memref<4096xi32, #tpu.memory_space<vmem>>, vector<16xi32>,
      %add3A_156 = arith.constant 10240 : i32
      %add3A_157 = vector.broadcast %add3A_156 : i32 to vector<16xi32>
      %add3A_158 = arith.addi %get3A_155, %add3A_157 : vector<16xi32>
      %get3A_159 = arith.index_cast %add3A_153 : i32 to index
      %get3A_160 = tpu.vector_load %arg8[%get3A_159] {strides = array<i32>} : memref<4096xf32, #tpu.memory_space<vmem>>, vector<16xf32>,
      tpu.vector_store_idx %arg10[%add3A_158], %get3A_160 : memref<16384xf32, #tpu.memory_space<vmem>>[vector<16xi32>], vector<16xf32>,
      %get3A_161 = arith.index_cast %add3A_153 : i32 to index
      %get3A_162 = tpu.vector_load %arg9[%get3A_161] {strides = array<i32>} : memref<4096xf32, #tpu.memory_space<vmem>>, vector<16xf32>,
      tpu.vector_store_idx %arg11[%add3A_158], %get3A_162 : memref<16384xf32, #tpu.memory_space<vmem>>[vector<16xi32>], vector<16xf32>,
      %add3A_163 = arith.constant 160 : i32
      %add3A_164 = arith.addi %mul3A_20, %add3A_163 : i32
      %add3A_165 = arith.constant 16 : i32
      %add3A_166 = arith.addi %add3A_164, %add3A_165 : i32
      %get3A_167 = arith.index_cast %add3A_166 : i32 to index
      %get3A_168 = tpu.vector_load %arg7[%get3A_167] {strides = array<i32>} : memref<4096xi32, #tpu.memory_space<vmem>>, vector<16xi32>,
      %add3A_169 = arith.constant 10240 : i32
      %add3A_170 = vector.broadcast %add3A_169 : i32 to vector<16xi32>
      %add3A_171 = arith.addi %get3A_168, %add3A_170 : vector<16xi32>
      %get3A_172 = arith.index_cast %add3A_166 : i32 to index
      %get3A_173 = tpu.vector_load %arg8[%get3A_172] {strides = array<i32>} : memref<4096xf32, #tpu.memory_space<vmem>>, vector<16xf32>,
      tpu.vector_store_idx %arg10[%add3A_171], %get3A_173 : memref<16384xf32, #tpu.memory_space<vmem>>[vector<16xi32>], vector<16xf32>,
      %get3A_174 = arith.index_cast %add3A_166 : i32 to index
      %get3A_175 = tpu.vector_load %arg9[%get3A_174] {strides = array<i32>} : memref<4096xf32, #tpu.memory_space<vmem>>, vector<16xf32>,
      tpu.vector_store_idx %arg11[%add3A_171], %get3A_175 : memref<16384xf32, #tpu.memory_space<vmem>>[vector<16xi32>], vector<16xf32>,
      %add3A_176 = arith.constant 192 : i32
      %add3A_177 = arith.addi %mul3A_20, %add3A_176 : i32
      %add3A_178 = arith.constant 0 : i32
      %add3A_179 = arith.addi %add3A_177, %add3A_178 : i32
      %get3A_180 = arith.index_cast %add3A_179 : i32 to index
      %get3A_181 = tpu.vector_load %arg7[%get3A_180] {strides = array<i32>} : memref<4096xi32, #tpu.memory_space<vmem>>, vector<16xi32>,
      %add3A_182 = arith.constant 12288 : i32
      %add3A_183 = vector.broadcast %add3A_182 : i32 to vector<16xi32>
      %add3A_184 = arith.addi %get3A_181, %add3A_183 : vector<16xi32>
      %get3A_185 = arith.index_cast %add3A_179 : i32 to index
      %get3A_186 = tpu.vector_load %arg8[%get3A_185] {strides = array<i32>} : memref<4096xf32, #tpu.memory_space<vmem>>, vector<16xf32>,
      tpu.vector_store_idx %arg10[%add3A_184], %get3A_186 : memref<16384xf32, #tpu.memory_space<vmem>>[vector<16xi32>], vector<16xf32>,
      %get3A_187 = arith.index_cast %add3A_179 : i32 to index
      %get3A_188 = tpu.vector_load %arg9[%get3A_187] {strides = array<i32>} : memref<4096xf32, #tpu.memory_space<vmem>>, vector<16xf32>,
      tpu.vector_store_idx %arg11[%add3A_184], %get3A_188 : memref<16384xf32, #tpu.memory_space<vmem>>[vector<16xi32>], vector<16xf32>,
      %add3A_189 = arith.constant 192 : i32
      %add3A_190 = arith.addi %mul3A_20, %add3A_189 : i32
      %add3A_191 = arith.constant 16 : i32
      %add3A_192 = arith.addi %add3A_190, %add3A_191 : i32
      %get3A_193 = arith.index_cast %add3A_192 : i32 to index
      %get3A_194 = tpu.vector_load %arg7[%get3A_193] {strides = array<i32>} : memref<4096xi32, #tpu.memory_space<vmem>>, vector<16xi32>,
      %add3A_195 = arith.constant 12288 : i32
      %add3A_196 = vector.broadcast %add3A_195 : i32 to vector<16xi32>
      %add3A_197 = arith.addi %get3A_194, %add3A_196 : vector<16xi32>
      %get3A_198 = arith.index_cast %add3A_192 : i32 to index
      %get3A_199 = tpu.vector_load %arg8[%get3A_198] {strides = array<i32>} : memref<4096xf32, #tpu.memory_space<vmem>>, vector<16xf32>,
      tpu.vector_store_idx %arg10[%add3A_197], %get3A_199 : memref<16384xf32, #tpu.memory_space<vmem>>[vector<16xi32>], vector<16xf32>,
      %get3A_200 = arith.index_cast %add3A_192 : i32 to index
      %get3A_201 = tpu.vector_load %arg9[%get3A_200] {strides = array<i32>} : memref<4096xf32, #tpu.memory_space<vmem>>, vector<16xf32>,
      tpu.vector_store_idx %arg11[%add3A_197], %get3A_201 : memref<16384xf32, #tpu.memory_space<vmem>>[vector<16xi32>], vector<16xf32>,
      %add3A_202 = arith.constant 224 : i32
      %add3A_203 = arith.addi %mul3A_20, %add3A_202 : i32
      %add3A_204 = arith.constant 0 : i32
      %add3A_205 = arith.addi %add3A_203, %add3A_204 : i32
      %get3A_206 = arith.index_cast %add3A_205 : i32 to index
      %get3A_207 = tpu.vector_load %arg7[%get3A_206] {strides = array<i32>} : memref<4096xi32, #tpu.memory_space<vmem>>, vector<16xi32>,
      %add3A_208 = arith.constant 14336 : i32
      %add3A_209 = vector.broadcast %add3A_208 : i32 to vector<16xi32>
      %add3A_210 = arith.addi %get3A_207, %add3A_209 : vector<16xi32>
      %get3A_211 = arith.index_cast %add3A_205 : i32 to index
      %get3A_212 = tpu.vector_load %arg8[%get3A_211] {strides = array<i32>} : memref<4096xf32, #tpu.memory_space<vmem>>, vector<16xf32>,
      tpu.vector_store_idx %arg10[%add3A_210], %get3A_212 : memref<16384xf32, #tpu.memory_space<vmem>>[vector<16xi32>], vector<16xf32>,
      %get3A_213 = arith.index_cast %add3A_205 : i32 to index
      %get3A_214 = tpu.vector_load %arg9[%get3A_213] {strides = array<i32>} : memref<4096xf32, #tpu.memory_space<vmem>>, vector<16xf32>,
      tpu.vector_store_idx %arg11[%add3A_210], %get3A_214 : memref<16384xf32, #tpu.memory_space<vmem>>[vector<16xi32>], vector<16xf32>,
      %add3A_215 = arith.constant 224 : i32
      %add3A_216 = arith.addi %mul3A_20, %add3A_215 : i32
      %add3A_217 = arith.constant 16 : i32
      %add3A_218 = arith.addi %add3A_216, %add3A_217 : i32
      %get3A_219 = arith.index_cast %add3A_218 : i32 to index
      %get3A_220 = tpu.vector_load %arg7[%get3A_219] {strides = array<i32>} : memref<4096xi32, #tpu.memory_space<vmem>>, vector<16xi32>,
      %add3A_221 = arith.constant 14336 : i32
      %add3A_222 = vector.broadcast %add3A_221 : i32 to vector<16xi32>
      %add3A_223 = arith.addi %get3A_220, %add3A_222 : vector<16xi32>
      %get3A_224 = arith.index_cast %add3A_218 : i32 to index
      %get3A_225 = tpu.vector_load %arg8[%get3A_224] {strides = array<i32>} : memref<4096xf32, #tpu.memory_space<vmem>>, vector<16xf32>,
      tpu.vector_store_idx %arg10[%add3A_223], %get3A_225 : memref<16384xf32, #tpu.memory_space<vmem>>[vector<16xi32>], vector<16xf32>,
      %get3A_226 = arith.index_cast %add3A_218 : i32 to index
      %get3A_227 = tpu.vector_load %arg9[%get3A_226] {strides = array<i32>} : memref<4096xf32, #tpu.memory_space<vmem>>, vector<16xf32>,
      tpu.vector_store_idx %arg11[%add3A_223], %get3A_227 : memref<16384xf32, #tpu.memory_space<vmem>>[vector<16xi32>], vector<16xf32>,
      %mul3A_228 = arith.constant 128 : i32
      %mul3A_229 = arith.muli %add3A, %mul3A_228 : i32
      %mul3A_230 = arith.constant 8 : i32
      %mul3A_231 = arith.muli %scan3A_17, %mul3A_230 : i32
      %add3A_232 = arith.addi %mul3A_229, %mul3A_231 : i32
      %mul3A_233 = arith.constant 2048 : i32
      %mul3A_234 = arith.muli %add3A_232, %mul3A_233 : i32
      %dma_start3A = tpu.memref_slice %arg5[%mul3A_234] : memref<8388608xf32, #tpu.memory_space<hbm>> -> memref<16384xf32, #tpu.memory_space<hbm>>
      %dma_start3A_235 = tpu.memref_slice %arg5[%mul3A_234] : memref<8388608xf32, #tpu.memory_space<hbm>> -> memref<16384xf32, #tpu.memory_space<hbm>>
      tpu.enqueue_dma source(%arg10 : memref<16384xf32, #tpu.memory_space<vmem>>) target(%dma_start3A_235 : memref<16384xf32, #tpu.memory_space<hbm>>) target_semaphore(%arg12 : memref<!tpu.dma_semaphore, #tpu.memory_space<semaphore_mem>>)
      %dma_start3A_236 = tpu.memref_slice %arg6[%mul3A_234] : memref<8388608xf32, #tpu.memory_space<hbm>> -> memref<16384xf32, #tpu.memory_space<hbm>>
      %dma_start3A_237 = tpu.memref_slice %arg6[%mul3A_234] : memref<8388608xf32, #tpu.memory_space<hbm>> -> memref<16384xf32, #tpu.memory_space<hbm>>
      tpu.enqueue_dma source(%arg11 : memref<16384xf32, #tpu.memory_space<vmem>>) target(%dma_start3A_237 : memref<16384xf32, #tpu.memory_space<hbm>>) target_semaphore(%arg13 : memref<!tpu.dma_semaphore, #tpu.memory_space<semaphore_mem>>)
      %dma_wait3A = tpu.memref_slice %arg5[%mul3A_234] : memref<8388608xf32, #tpu.memory_space<hbm>> -> memref<16384xf32, #tpu.memory_space<hbm>>
      %dma_wait3A_238 = tpu.memref_slice %arg5[%mul3A_234] : memref<8388608xf32, #tpu.memory_space<hbm>> -> memref<16384xf32, #tpu.memory_space<hbm>>
      tpu.wait_dma2 semaphore(%arg12 : memref<!tpu.dma_semaphore, #tpu.memory_space<semaphore_mem>>) src(%arg10 : memref<16384xf32, #tpu.memory_space<vmem>>) dst(%dma_wait3A_238 : memref<16384xf32, #tpu.memory_space<hbm>>)
      %dma_wait3A_239 = tpu.memref_slice %arg6[%mul3A_234] : memref<8388608xf32, #tpu.memory_space<hbm>> -> memref<16384xf32, #tpu.memory_space<hbm>>
      %dma_wait3A_240 = tpu.memref_slice %arg6[%mul3A_234] : memref<8388608xf32, #tpu.memory_space<hbm>> -> memref<16384xf32, #tpu.memory_space<hbm>>
      tpu.wait_dma2 semaphore(%arg13 : memref<!tpu.dma_semaphore, #tpu.memory_space<semaphore_mem>>) src(%arg11 : memref<16384xf32, #tpu.memory_space<vmem>>) dst(%dma_wait3A_240 : memref<16384xf32, #tpu.memory_space<hbm>>)
      %add3A_241 = arith.constant 0 : i32
      %add3A_242 = arith.addi %mul3A_20, %add3A_241 : i32
      %add3A_243 = arith.constant 0 : i32
      %add3A_244 = arith.addi %add3A_242, %add3A_243 : i32
      %get3A_245 = arith.index_cast %add3A_244 : i32 to index
      %get3A_246 = tpu.vector_load %arg7[%get3A_245] {strides = array<i32>} : memref<4096xi32, #tpu.memory_space<vmem>>, vector<16xi32>,
      %add3A_247 = arith.constant 0 : i32
      %add3A_248 = vector.broadcast %add3A_247 : i32 to vector<16xi32>
      %add3A_249 = arith.addi %get3A_246, %add3A_248 : vector<16xi32>
      tpu.vector_store_idx %arg10[%add3A_249], %broadcast_in_dim3A_9 : memref<16384xf32, #tpu.memory_space<vmem>>[vector<16xi32>], vector<16xf32>,
      tpu.vector_store_idx %arg11[%add3A_249], %broadcast_in_dim3A_9 : memref<16384xf32, #tpu.memory_space<vmem>>[vector<16xi32>], vector<16xf32>,
      %add3A_250 = arith.constant 0 : i32
      %add3A_251 = arith.addi %mul3A_20, %add3A_250 : i32
      %add3A_252 = arith.constant 16 : i32
      %add3A_253 = arith.addi %add3A_251, %add3A_252 : i32
      %get3A_254 = arith.index_cast %add3A_253 : i32 to index
      %get3A_255 = tpu.vector_load %arg7[%get3A_254] {strides = array<i32>} : memref<4096xi32, #tpu.memory_space<vmem>>, vector<16xi32>,
      %add3A_256 = arith.constant 0 : i32
      %add3A_257 = vector.broadcast %add3A_256 : i32 to vector<16xi32>
      %add3A_258 = arith.addi %get3A_255, %add3A_257 : vector<16xi32>
      tpu.vector_store_idx %arg10[%add3A_258], %broadcast_in_dim3A_9 : memref<16384xf32, #tpu.memory_space<vmem>>[vector<16xi32>], vector<16xf32>,
      tpu.vector_store_idx %arg11[%add3A_258], %broadcast_in_dim3A_9 : memref<16384xf32, #tpu.memory_space<vmem>>[vector<16xi32>], vector<16xf32>,
      %add3A_259 = arith.constant 32 : i32
      %add3A_260 = arith.addi %mul3A_20, %add3A_259 : i32
      %add3A_261 = arith.constant 0 : i32
      %add3A_262 = arith.addi %add3A_260, %add3A_261 : i32
      %get3A_263 = arith.index_cast %add3A_262 : i32 to index
      %get3A_264 = tpu.vector_load %arg7[%get3A_263] {strides = array<i32>} : memref<4096xi32, #tpu.memory_space<vmem>>, vector<16xi32>,
      %add3A_265 = arith.constant 2048 : i32
      %add3A_266 = vector.broadcast %add3A_265 : i32 to vector<16xi32>
      %add3A_267 = arith.addi %get3A_264, %add3A_266 : vector<16xi32>
      tpu.vector_store_idx %arg10[%add3A_267], %broadcast_in_dim3A_9 : memref<16384xf32, #tpu.memory_space<vmem>>[vector<16xi32>], vector<16xf32>,
      tpu.vector_store_idx %arg11[%add3A_267], %broadcast_in_dim3A_9 : memref<16384xf32, #tpu.memory_space<vmem>>[vector<16xi32>], vector<16xf32>,
      %add3A_268 = arith.constant 32 : i32
      %add3A_269 = arith.addi %mul3A_20, %add3A_268 : i32
      %add3A_270 = arith.constant 16 : i32
      %add3A_271 = arith.addi %add3A_269, %add3A_270 : i32
      %get3A_272 = arith.index_cast %add3A_271 : i32 to index
      %get3A_273 = tpu.vector_load %arg7[%get3A_272] {strides = array<i32>} : memref<4096xi32, #tpu.memory_space<vmem>>, vector<16xi32>,
      %add3A_274 = arith.constant 2048 : i32
      %add3A_275 = vector.broadcast %add3A_274 : i32 to vector<16xi32>
      %add3A_276 = arith.addi %get3A_273, %add3A_275 : vector<16xi32>
      tpu.vector_store_idx %arg10[%add3A_276], %broadcast_in_dim3A_9 : memref<16384xf32, #tpu.memory_space<vmem>>[vector<16xi32>], vector<16xf32>,
      tpu.vector_store_idx %arg11[%add3A_276], %broadcast_in_dim3A_9 : memref<16384xf32, #tpu.memory_space<vmem>>[vector<16xi32>], vector<16xf32>,
      %add3A_277 = arith.constant 64 : i32
      %add3A_278 = arith.addi %mul3A_20, %add3A_277 : i32
      %add3A_279 = arith.constant 0 : i32
      %add3A_280 = arith.addi %add3A_278, %add3A_279 : i32
      %get3A_281 = arith.index_cast %add3A_280 : i32 to index
      %get3A_282 = tpu.vector_load %arg7[%get3A_281] {strides = array<i32>} : memref<4096xi32, #tpu.memory_space<vmem>>, vector<16xi32>,
      %add3A_283 = arith.constant 4096 : i32
      %add3A_284 = vector.broadcast %add3A_283 : i32 to vector<16xi32>
      %add3A_285 = arith.addi %get3A_282, %add3A_284 : vector<16xi32>
      tpu.vector_store_idx %arg10[%add3A_285], %broadcast_in_dim3A_9 : memref<16384xf32, #tpu.memory_space<vmem>>[vector<16xi32>], vector<16xf32>,
      tpu.vector_store_idx %arg11[%add3A_285], %broadcast_in_dim3A_9 : memref<16384xf32, #tpu.memory_space<vmem>>[vector<16xi32>], vector<16xf32>,
      %add3A_286 = arith.constant 64 : i32
      %add3A_287 = arith.addi %mul3A_20, %add3A_286 : i32
      %add3A_288 = arith.constant 16 : i32
      %add3A_289 = arith.addi %add3A_287, %add3A_288 : i32
      %get3A_290 = arith.index_cast %add3A_289 : i32 to index
      %get3A_291 = tpu.vector_load %arg7[%get3A_290] {strides = array<i32>} : memref<4096xi32, #tpu.memory_space<vmem>>, vector<16xi32>,
      %add3A_292 = arith.constant 4096 : i32
      %add3A_293 = vector.broadcast %add3A_292 : i32 to vector<16xi32>
      %add3A_294 = arith.addi %get3A_291, %add3A_293 : vector<16xi32>
      tpu.vector_store_idx %arg10[%add3A_294], %broadcast_in_dim3A_9 : memref<16384xf32, #tpu.memory_space<vmem>>[vector<16xi32>], vector<16xf32>,
      tpu.vector_store_idx %arg11[%add3A_294], %broadcast_in_dim3A_9 : memref<16384xf32, #tpu.memory_space<vmem>>[vector<16xi32>], vector<16xf32>,
      %add3A_295 = arith.constant 96 : i32
      %add3A_296 = arith.addi %mul3A_20, %add3A_295 : i32
      %add3A_297 = arith.constant 0 : i32
      %add3A_298 = arith.addi %add3A_296, %add3A_297 : i32
      %get3A_299 = arith.index_cast %add3A_298 : i32 to index
      %get3A_300 = tpu.vector_load %arg7[%get3A_299] {strides = array<i32>} : memref<4096xi32, #tpu.memory_space<vmem>>, vector<16xi32>,
      %add3A_301 = arith.constant 6144 : i32
      %add3A_302 = vector.broadcast %add3A_301 : i32 to vector<16xi32>
      %add3A_303 = arith.addi %get3A_300, %add3A_302 : vector<16xi32>
      tpu.vector_store_idx %arg10[%add3A_303], %broadcast_in_dim3A_9 : memref<16384xf32, #tpu.memory_space<vmem>>[vector<16xi32>], vector<16xf32>,
      tpu.vector_store_idx %arg11[%add3A_303], %broadcast_in_dim3A_9 : memref<16384xf32, #tpu.memory_space<vmem>>[vector<16xi32>], vector<16xf32>,
      %add3A_304 = arith.constant 96 : i32
      %add3A_305 = arith.addi %mul3A_20, %add3A_304 : i32
      %add3A_306 = arith.constant 16 : i32
      %add3A_307 = arith.addi %add3A_305, %add3A_306 : i32
      %get3A_308 = arith.index_cast %add3A_307 : i32 to index
      %get3A_309 = tpu.vector_load %arg7[%get3A_308] {strides = array<i32>} : memref<4096xi32, #tpu.memory_space<vmem>>, vector<16xi32>,
      %add3A_310 = arith.constant 6144 : i32
      %add3A_311 = vector.broadcast %add3A_310 : i32 to vector<16xi32>
      %add3A_312 = arith.addi %get3A_309, %add3A_311 : vector<16xi32>
      tpu.vector_store_idx %arg10[%add3A_312], %broadcast_in_dim3A_9 : memref<16384xf32, #tpu.memory_space<vmem>>[vector<16xi32>], vector<16xf32>,
      tpu.vector_store_idx %arg11[%add3A_312], %broadcast_in_dim3A_9 : memref<16384xf32, #tpu.memory_space<vmem>>[vector<16xi32>], vector<16xf32>,
      %add3A_313 = arith.constant 128 : i32
      %add3A_314 = arith.addi %mul3A_20, %add3A_313 : i32
      %add3A_315 = arith.constant 0 : i32
      %add3A_316 = arith.addi %add3A_314, %add3A_315 : i32
      %get3A_317 = arith.index_cast %add3A_316 : i32 to index
      %get3A_318 = tpu.vector_load %arg7[%get3A_317] {strides = array<i32>} : memref<4096xi32, #tpu.memory_space<vmem>>, vector<16xi32>,
      %add3A_319 = arith.constant 8192 : i32
      %add3A_320 = vector.broadcast %add3A_319 : i32 to vector<16xi32>
      %add3A_321 = arith.addi %get3A_318, %add3A_320 : vector<16xi32>
      tpu.vector_store_idx %arg10[%add3A_321], %broadcast_in_dim3A_9 : memref<16384xf32, #tpu.memory_space<vmem>>[vector<16xi32>], vector<16xf32>,
      tpu.vector_store_idx %arg11[%add3A_321], %broadcast_in_dim3A_9 : memref<16384xf32, #tpu.memory_space<vmem>>[vector<16xi32>], vector<16xf32>,
      %add3A_322 = arith.constant 128 : i32
      %add3A_323 = arith.addi %mul3A_20, %add3A_322 : i32
      %add3A_324 = arith.constant 16 : i32
      %add3A_325 = arith.addi %add3A_323, %add3A_324 : i32
      %get3A_326 = arith.index_cast %add3A_325 : i32 to index
      %get3A_327 = tpu.vector_load %arg7[%get3A_326] {strides = array<i32>} : memref<4096xi32, #tpu.memory_space<vmem>>, vector<16xi32>,
      %add3A_328 = arith.constant 8192 : i32
      %add3A_329 = vector.broadcast %add3A_328 : i32 to vector<16xi32>
      %add3A_330 = arith.addi %get3A_327, %add3A_329 : vector<16xi32>
      tpu.vector_store_idx %arg10[%add3A_330], %broadcast_in_dim3A_9 : memref<16384xf32, #tpu.memory_space<vmem>>[vector<16xi32>], vector<16xf32>,
      tpu.vector_store_idx %arg11[%add3A_330], %broadcast_in_dim3A_9 : memref<16384xf32, #tpu.memory_space<vmem>>[vector<16xi32>], vector<16xf32>,
      %add3A_331 = arith.constant 160 : i32
      %add3A_332 = arith.addi %mul3A_20, %add3A_331 : i32
      %add3A_333 = arith.constant 0 : i32
      %add3A_334 = arith.addi %add3A_332, %add3A_333 : i32
      %get3A_335 = arith.index_cast %add3A_334 : i32 to index
      %get3A_336 = tpu.vector_load %arg7[%get3A_335] {strides = array<i32>} : memref<4096xi32, #tpu.memory_space<vmem>>, vector<16xi32>,
      %add3A_337 = arith.constant 10240 : i32
      %add3A_338 = vector.broadcast %add3A_337 : i32 to vector<16xi32>
      %add3A_339 = arith.addi %get3A_336, %add3A_338 : vector<16xi32>
      tpu.vector_store_idx %arg10[%add3A_339], %broadcast_in_dim3A_9 : memref<16384xf32, #tpu.memory_space<vmem>>[vector<16xi32>], vector<16xf32>,
      tpu.vector_store_idx %arg11[%add3A_339], %broadcast_in_dim3A_9 : memref<16384xf32, #tpu.memory_space<vmem>>[vector<16xi32>], vector<16xf32>,
      %add3A_340 = arith.constant 160 : i32
      %add3A_341 = arith.addi %mul3A_20, %add3A_340 : i32
      %add3A_342 = arith.constant 16 : i32
      %add3A_343 = arith.addi %add3A_341, %add3A_342 : i32
      %get3A_344 = arith.index_cast %add3A_343 : i32 to index
      %get3A_345 = tpu.vector_load %arg7[%get3A_344] {strides = array<i32>} : memref<4096xi32, #tpu.memory_space<vmem>>, vector<16xi32>,
      %add3A_346 = arith.constant 10240 : i32
      %add3A_347 = vector.broadcast %add3A_346 : i32 to vector<16xi32>
      %add3A_348 = arith.addi %get3A_345, %add3A_347 : vector<16xi32>
      tpu.vector_store_idx %arg10[%add3A_348], %broadcast_in_dim3A_9 : memref<16384xf32, #tpu.memory_space<vmem>>[vector<16xi32>], vector<16xf32>,
      tpu.vector_store_idx %arg11[%add3A_348], %broadcast_in_dim3A_9 : memref<16384xf32, #tpu.memory_space<vmem>>[vector<16xi32>], vector<16xf32>,
      %add3A_349 = arith.constant 192 : i32
      %add3A_350 = arith.addi %mul3A_20, %add3A_349 : i32
      %add3A_351 = arith.constant 0 : i32
      %add3A_352 = arith.addi %add3A_350, %add3A_351 : i32
      %get3A_353 = arith.index_cast %add3A_352 : i32 to index
      %get3A_354 = tpu.vector_load %arg7[%get3A_353] {strides = array<i32>} : memref<4096xi32, #tpu.memory_space<vmem>>, vector<16xi32>,
      %add3A_355 = arith.constant 12288 : i32
      %add3A_356 = vector.broadcast %add3A_355 : i32 to vector<16xi32>
      %add3A_357 = arith.addi %get3A_354, %add3A_356 : vector<16xi32>
      tpu.vector_store_idx %arg10[%add3A_357], %broadcast_in_dim3A_9 : memref<16384xf32, #tpu.memory_space<vmem>>[vector<16xi32>], vector<16xf32>,
      tpu.vector_store_idx %arg11[%add3A_357], %broadcast_in_dim3A_9 : memref<16384xf32, #tpu.memory_space<vmem>>[vector<16xi32>], vector<16xf32>,
      %add3A_358 = arith.constant 192 : i32
      %add3A_359 = arith.addi %mul3A_20, %add3A_358 : i32
      %add3A_360 = arith.constant 16 : i32
      %add3A_361 = arith.addi %add3A_359, %add3A_360 : i32
      %get3A_362 = arith.index_cast %add3A_361 : i32 to index
      %get3A_363 = tpu.vector_load %arg7[%get3A_362] {strides = array<i32>} : memref<4096xi32, #tpu.memory_space<vmem>>, vector<16xi32>,
      %add3A_364 = arith.constant 12288 : i32
      %add3A_365 = vector.broadcast %add3A_364 : i32 to vector<16xi32>
      %add3A_366 = arith.addi %get3A_363, %add3A_365 : vector<16xi32>
      tpu.vector_store_idx %arg10[%add3A_366], %broadcast_in_dim3A_9 : memref<16384xf32, #tpu.memory_space<vmem>>[vector<16xi32>], vector<16xf32>,
      tpu.vector_store_idx %arg11[%add3A_366], %broadcast_in_dim3A_9 : memref<16384xf32, #tpu.memory_space<vmem>>[vector<16xi32>], vector<16xf32>,
      %add3A_367 = arith.constant 224 : i32
      %add3A_368 = arith.addi %mul3A_20, %add3A_367 : i32
      %add3A_369 = arith.constant 0 : i32
      %add3A_370 = arith.addi %add3A_368, %add3A_369 : i32
      %get3A_371 = arith.index_cast %add3A_370 : i32 to index
      %get3A_372 = tpu.vector_load %arg7[%get3A_371] {strides = array<i32>} : memref<4096xi32, #tpu.memory_space<vmem>>, vector<16xi32>,
      %add3A_373 = arith.constant 14336 : i32
      %add3A_374 = vector.broadcast %add3A_373 : i32 to vector<16xi32>
      %add3A_375 = arith.addi %get3A_372, %add3A_374 : vector<16xi32>
      tpu.vector_store_idx %arg10[%add3A_375], %broadcast_in_dim3A_9 : memref<16384xf32, #tpu.memory_space<vmem>>[vector<16xi32>], vector<16xf32>,
      tpu.vector_store_idx %arg11[%add3A_375], %broadcast_in_dim3A_9 : memref<16384xf32, #tpu.memory_space<vmem>>[vector<16xi32>], vector<16xf32>,
      %add3A_376 = arith.constant 224 : i32
      %add3A_377 = arith.addi %mul3A_20, %add3A_376 : i32
      %add3A_378 = arith.constant 16 : i32
      %add3A_379 = arith.addi %add3A_377, %add3A_378 : i32
      %get3A_380 = arith.index_cast %add3A_379 : i32 to index
      %get3A_381 = tpu.vector_load %arg7[%get3A_380] {strides = array<i32>} : memref<4096xi32, #tpu.memory_space<vmem>>, vector<16xi32>,
      %add3A_382 = arith.constant 14336 : i32
      %add3A_383 = vector.broadcast %add3A_382 : i32 to vector<16xi32>
      %add3A_384 = arith.addi %get3A_381, %add3A_383 : vector<16xi32>
      tpu.vector_store_idx %arg10[%add3A_384], %broadcast_in_dim3A_9 : memref<16384xf32, #tpu.memory_space<vmem>>[vector<16xi32>], vector<16xf32>,
      tpu.vector_store_idx %arg11[%add3A_384], %broadcast_in_dim3A_9 : memref<16384xf32, #tpu.memory_space<vmem>>[vector<16xi32>], vector<16xf32>,
      %scan3A_385 = arith.constant 0 : i32
      scf.yield %scan3A_385 : i32
    }
    %scan3A_16 = arith.constant 16 : i32
    return
  }
}

module attributes {stable_mosaic.version = 14 : i64} {
  func.func @_pj_kernel(%arg0: i32, %arg1: memref<256x256xf32, #tpu.memory_space<vmem>>, %arg2: memref<256x16xf32, #tpu.memory_space<vmem>>, %arg3: memref<256x128xf32, #tpu.memory_space<vmem>>, %arg4: memref<16x128xf32, #tpu.memory_space<vmem>>, %arg5: memref<256x128xf32, #tpu.memory_space<vmem>>) attributes {dimension_semantics = [#tpu.dimension_semantics<arbitrary>], iteration_bounds = array<i64: 16>, scalar_prefetch = 0 : i64, scratch_operands = 0 : i64, tpu.core_type = #tpu.core_type<tc>, window_params = [{transform_indices = @transform_0, window_bounds = array<i64: 256, 256>}, {transform_indices = @transform_1, window_bounds = array<i64: 256, 16>}, {pipeline_mode = #tpu.pipeline_mode<synchronous>, transform_indices = @transform_2, window_bounds = array<i64: 256, 128>}, {pipeline_mode = #tpu.pipeline_mode<synchronous>, transform_indices = @transform_3, window_bounds = array<i64: 16, 128>}, {transform_indices = @transform_4, window_bounds = array<i64: 256, 128>}]} {
    %get3A = arith.constant 0 : index
    %get3A_0 = arith.constant 0 : index
    %get3A_1 = vector.load %arg1[%get3A, %get3A_0] : memref<256x256xf32, #tpu.memory_space<vmem>>, vector<256x256xf32>
    %get3A_2 = arith.constant 0 : index
    %get3A_3 = arith.constant 0 : index
    %get3A_4 = vector.load %arg3[%get3A_2, %get3A_3] : memref<256x128xf32, #tpu.memory_space<vmem>>, vector<256x128xf32>
    %dot_general3A = arith.constant dense<0.000000e+00> : vector<256x128xf32>
    %dot_general3A_5 = tpu.matmul %get3A_1, %get3A_4, %dot_general3A {dimension_numbers = #tpu.dot_dimension_numbers<[1], [0], [0], [1], [0, 0, 1, 1], [], []>, transpose_lhs_hint = false} : vector<256x256xf32>, vector<256x128xf32>, vector<256x128xf32> -> vector<256x128xf32>
    %get3A_6 = arith.constant 0 : index
    %get3A_7 = arith.constant 0 : index
    %get3A_8 = vector.load %arg2[%get3A_6, %get3A_7] : memref<256x16xf32, #tpu.memory_space<vmem>>, vector<256x16xf32>
    %get3A_9 = arith.constant 0 : index
    %get3A_10 = arith.constant 0 : index
    %get3A_11 = vector.load %arg4[%get3A_9, %get3A_10] : memref<16x128xf32, #tpu.memory_space<vmem>>, vector<16x128xf32>
    %dot_general3A_12 = arith.constant dense<0.000000e+00> : vector<256x128xf32>
    %dot_general3A_13 = tpu.matmul %get3A_8, %get3A_11, %dot_general3A_12 {dimension_numbers = #tpu.dot_dimension_numbers<[1], [0], [0], [1], [0, 0, 1, 1], [], []>, transpose_lhs_hint = false} : vector<256x16xf32>, vector<16x128xf32>, vector<256x128xf32> -> vector<256x128xf32>
    %sub3A = arith.subf %dot_general3A_5, %dot_general3A_13 : vector<256x128xf32>
    %swap3A = arith.constant 0 : index
    %swap3A_14 = arith.constant 0 : index
    %swap3A_15 = vector.load %arg5[%swap3A, %swap3A_14] : memref<256x128xf32, #tpu.memory_space<vmem>>, vector<256x128xf32>
    tpu.vector_store %arg5[%swap3A, %swap3A_14], %sub3A {strides = array<i32>} : memref<256x128xf32, #tpu.memory_space<vmem>>, vector<256x128xf32>,
    return
  }
  func.func @transform_0(%arg0: i32) -> (i32, i32) {
    %c0_i32 = arith.constant 0 : i32
    %c0_i32_0 = arith.constant 0 : i32
    return %arg0, %c0_i32 : i32, i32
  }
  func.func @transform_1(%arg0: i32) -> (i32, i32) {
    %jit3A = arith.constant 8 : i32
    %eq3A = arith.constant 0 : i32
    %eq3A_0 = arith.cmpi eq, %jit3A, %eq3A : i32
    %jit3A_1 = arith.constant 1 : i32
    %select_n3A = arith.select %eq3A_0, %jit3A_1, %jit3A : i32
    %rem3A = arith.remsi %arg0, %select_n3A : i32
    %ne3A = arith.constant 0 : i32
    %ne3A_2 = arith.cmpi ne, %rem3A, %ne3A : i32
    %lt3A = arith.constant 0 : i32
    %lt3A_3 = arith.cmpi slt, %rem3A, %lt3A : i32
    %lt3A_4 = arith.constant 0 : i32
    %lt3A_5 = arith.cmpi slt, %select_n3A, %lt3A_4 : i32
    %ne3A_6 = arith.xori %lt3A_3, %lt3A_5 : i1
    %and3A = arith.andi %ne3A_6, %ne3A_2 : i1
    %add3A = arith.addi %rem3A, %select_n3A : i32
    %select_n3A_7 = arith.select %and3A, %add3A, %rem3A : i32
    %c0_i32 = arith.constant 0 : i32
    %c0_i32_8 = arith.constant 0 : i32
    return %select_n3A_7, %c0_i32 : i32, i32
  }
  func.func @transform_2(%arg0: i32) -> (i32, i32) {
    %c0_i32 = arith.constant 0 : i32
    %c0_i32_0 = arith.constant 0 : i32
    %c0_i32_1 = arith.constant 0 : i32
    return %c0_i32, %c0_i32_0 : i32, i32
  }
  func.func @transform_3(%arg0: i32) -> (i32, i32) {
    %c0_i32 = arith.constant 0 : i32
    %c0_i32_0 = arith.constant 0 : i32
    %c0_i32_1 = arith.constant 0 : i32
    return %c0_i32, %c0_i32_0 : i32, i32
  }
  func.func @transform_4(%arg0: i32) -> (i32, i32) {
    %c0_i32 = arith.constant 0 : i32
    %c0_i32_0 = arith.constant 0 : i32
    return %arg0, %c0_i32 : i32, i32
  }
}

module attributes {stable_mosaic.version = 14 : i64} {
  func.func @_topk_kernel(%arg0: i32, %arg1: i32, %arg2: memref<1x256x2048xf32, #tpu.memory_space<vmem>>, %arg3: memref<1x256x32xi32, #tpu.memory_space<vmem>>, %arg4: memref<1x256x32xf32, #tpu.memory_space<vmem>>) attributes {dimension_semantics = [#tpu.dimension_semantics<arbitrary>, #tpu.dimension_semantics<arbitrary>], iteration_bounds = array<i64: 2, 8>, scalar_prefetch = 0 : i64, scratch_operands = 0 : i64, tpu.core_type = #tpu.core_type<tc>, window_params = [{transform_indices = @transform_0, window_bounds = array<i64: 1, 256, 2048>}, {transform_indices = @transform_1, window_bounds = array<i64: 1, 256, 32>}, {transform_indices = @transform_2, window_bounds = array<i64: 1, 256, 32>}]} {
    %get3A = arith.constant 0 : index
    %get3A_0 = arith.constant 0 : index
    %get3A_1 = arith.constant 0 : index
    %get3A_2 = vector.load %arg2[%get3A, %get3A_0, %get3A_1] : memref<1x256x2048xf32, #tpu.memory_space<vmem>>, vector<1x256x2048xf32>
    %get3A_3 = vector.shape_cast %get3A_2 : vector<1x256x2048xf32> to vector<256x2048xf32>
    %iota3A = tpu.iota {dimensions = array<i32: 1>} : vector<256x2048xi32>
    %iota3A_4 = tpu.iota {dimensions = array<i32: 1>} : vector<256x32xi32>
    %broadcast_in_dim3A = arith.constant 0x7F800000 : f32
    %broadcast_in_dim3A_5 = vector.broadcast %broadcast_in_dim3A : f32 to vector<256x1xf32>
    %broadcast_in_dim3A_6 = arith.constant -1 : i32
    %broadcast_in_dim3A_7 = vector.broadcast %broadcast_in_dim3A_6 : i32 to vector<256x1xi32>
    %broadcast_in_dim3A_8 = arith.constant 0.000000e+00 : f32
    %broadcast_in_dim3A_9 = vector.broadcast %broadcast_in_dim3A_8 : f32 to vector<256x32xf32>
    %broadcast_in_dim3A_10 = arith.constant 0 : i32
    %broadcast_in_dim3A_11 = vector.broadcast %broadcast_in_dim3A_10 : i32 to vector<256x32xi32>
    %scan3A = arith.constant 0 : i32
    %scan3A_12 = arith.constant 32 : i32
    %scan3A_13 = arith.addi %scan3A, %scan3A_12 : i32
    %scan3A_14 = arith.constant 1 : i32
    %scan3A_15:4 = scf.for %scan3A_28 = %scan3A to %scan3A_13 step %scan3A_14 iter_args(%scan3A_29 = %broadcast_in_dim3A_5, %scan3A_30 = %broadcast_in_dim3A_7, %scan3A_31 = %broadcast_in_dim3A_9, %scan3A_32 = %broadcast_in_dim3A_11) -> (vector<256x1xf32>, vector<256x1xi32>, vector<256x32xf32>, vector<256x32xi32>)  : i32 {
      %lt3A = vector.broadcast %scan3A_29 : vector<256x1xf32> to vector<256x2048xf32>
      %lt3A_33 = arith.cmpf olt, %get3A_3, %lt3A : vector<256x2048xf32>
      %eq3A = vector.broadcast %scan3A_29 : vector<256x1xf32> to vector<256x2048xf32>
      %eq3A_34 = arith.cmpf oeq, %get3A_3, %eq3A : vector<256x2048xf32>
      %gt3A = vector.broadcast %scan3A_30 : vector<256x1xi32> to vector<256x2048xi32>
      %gt3A_35 = arith.cmpi sgt, %iota3A, %gt3A : vector<256x2048xi32>
      %and3A = arith.andi %eq3A_34, %gt3A_35 : vector<256x2048xi1>
      %or3A = arith.ori %lt3A_33, %and3A : vector<256x2048xi1>
      %jit3A = arith.constant 0xFF800000 : f32
      %broadcast_in_dim3A_36 = vector.broadcast %jit3A : f32 to vector<256x2048xf32>
      %select_n3A = arith.select %or3A, %get3A_3, %broadcast_in_dim3A_36 : vector<256x2048xi1>, vector<256x2048xf32>
      %reduce_max3A = arith.constant dense<0xFF800000> : vector<256xf32>
      %reduce_max3A_37 = vector.multi_reduction <maximumf>, %select_n3A, %reduce_max3A [1] : vector<256x2048xf32> to vector<256xf32>
      %broadcast_in_dim3A_38 = vector.shape_cast %reduce_max3A_37 : vector<256xf32> to vector<256x1xf32>
      %eq3A_39 = vector.broadcast %broadcast_in_dim3A_38 : vector<256x1xf32> to vector<256x2048xf32>
      %eq3A_40 = arith.cmpf oeq, %select_n3A, %eq3A_39 : vector<256x2048xf32>
      %jit3A_41 = arith.constant 2048 : i32
      %broadcast_in_dim3A_42 = vector.broadcast %jit3A_41 : i32 to vector<256x2048xi32>
      %select_n3A_43 = arith.select %eq3A_40, %iota3A, %broadcast_in_dim3A_42 : vector<256x2048xi1>, vector<256x2048xi32>
      %reduce_min3A = arith.constant dense<2147483647> : vector<256xi32>
      %reduce_min3A_44 = vector.multi_reduction <minsi>, %select_n3A_43, %reduce_min3A [1] : vector<256x2048xi32> to vector<256xi32>
      %broadcast_in_dim3A_45 = vector.shape_cast %reduce_min3A_44 : vector<256xi32> to vector<256x1xi32>
      %eq3A_46 = vector.broadcast %scan3A_28 : i32 to vector<256x32xi32>
      %eq3A_47 = arith.cmpi eq, %iota3A_4, %eq3A_46 : vector<256x32xi32>
      %broadcast_in_dim3A_48 = vector.shape_cast %broadcast_in_dim3A_38 : vector<256x1xf32> to vector<256x1xf32>
      %broadcast_in_dim3A_49 = vector.broadcast %broadcast_in_dim3A_48 : vector<256x1xf32> to vector<256x32xf32>
      %select_n3A_50 = arith.select %eq3A_47, %broadcast_in_dim3A_49, %scan3A_31 : vector<256x32xi1>, vector<256x32xf32>
      %eq3A_51 = vector.broadcast %scan3A_28 : i32 to vector<256x32xi32>
      %eq3A_52 = arith.cmpi eq, %iota3A_4, %eq3A_51 : vector<256x32xi32>
      %broadcast_in_dim3A_53 = vector.shape_cast %broadcast_in_dim3A_45 : vector<256x1xi32> to vector<256x1xi32>
      %broadcast_in_dim3A_54 = vector.broadcast %broadcast_in_dim3A_53 : vector<256x1xi32> to vector<256x32xi32>
      %select_n3A_55 = arith.select %eq3A_52, %broadcast_in_dim3A_54, %scan3A_32 : vector<256x32xi1>, vector<256x32xi32>
      scf.yield %broadcast_in_dim3A_38, %broadcast_in_dim3A_45, %select_n3A_50, %select_n3A_55 : vector<256x1xf32>, vector<256x1xi32>, vector<256x32xf32>, vector<256x32xi32>
    }
    %scan3A_16 = arith.constant 32 : i32
    %swap3A = arith.constant 0 : index
    %swap3A_17 = arith.constant 0 : index
    %swap3A_18 = arith.constant 0 : index
    %swap3A_19 = vector.load %arg3[%swap3A, %swap3A_17, %swap3A_18] : memref<1x256x32xi32, #tpu.memory_space<vmem>>, vector<1x256x32xi32>
    %swap3A_20 = vector.shape_cast %swap3A_19 : vector<1x256x32xi32> to vector<256x32xi32>
    %swap3A_21 = vector.shape_cast %scan3A_15#3 : vector<256x32xi32> to vector<1x256x32xi32>
    tpu.vector_store %arg3[%swap3A, %swap3A_17, %swap3A_18], %swap3A_21 {strides = array<i32>} : memref<1x256x32xi32, #tpu.memory_space<vmem>>, vector<1x256x32xi32>,
    %swap3A_22 = arith.constant 0 : index
    %swap3A_23 = arith.constant 0 : index
    %swap3A_24 = arith.constant 0 : index
    %swap3A_25 = vector.load %arg4[%swap3A_22, %swap3A_23, %swap3A_24] : memref<1x256x32xf32, #tpu.memory_space<vmem>>, vector<1x256x32xf32>
    %swap3A_26 = vector.shape_cast %swap3A_25 : vector<1x256x32xf32> to vector<256x32xf32>
    %swap3A_27 = vector.shape_cast %scan3A_15#2 : vector<256x32xf32> to vector<1x256x32xf32>
    tpu.vector_store %arg4[%swap3A_22, %swap3A_23, %swap3A_24], %swap3A_27 {strides = array<i32>} : memref<1x256x32xf32, #tpu.memory_space<vmem>>, vector<1x256x32xf32>,
    return
  }
  func.func @transform_0(%arg0: i32, %arg1: i32) -> (i32, i32, i32) {
    %c0_i32 = arith.constant 0 : i32
    %c0_i32_0 = arith.constant 0 : i32
    return %arg0, %arg1, %c0_i32 : i32, i32, i32
  }
  func.func @transform_1(%arg0: i32, %arg1: i32) -> (i32, i32, i32) {
    %c0_i32 = arith.constant 0 : i32
    %c0_i32_0 = arith.constant 0 : i32
    return %arg0, %arg1, %c0_i32 : i32, i32, i32
  }
  func.func @transform_2(%arg0: i32, %arg1: i32) -> (i32, i32, i32) {
    %c0_i32 = arith.constant 0 : i32
    %c0_i32_0 = arith.constant 0 : i32
    return %arg0, %arg1, %c0_i32 : i32, i32, i32
  }
}

module attributes {stable_mosaic.version = 14 : i64} {
  func.func @_mlp_kernel(%arg0: i32, %arg1: memref<2048x384xf32, #tpu.memory_space<vmem>>, %arg2: memref<64x256xf32, #tpu.memory_space<vmem>>, %arg3: memref<64x16xf32, #tpu.memory_space<vmem>>, %arg4: memref<2048x1xf32, #tpu.memory_space<vmem>>, %arg5: memref<256x128xf32, #tpu.memory_space<vmem>>, %arg6: memref<256x128xf32, #tpu.memory_space<vmem>>, %arg7: memref<16x128xf32, #tpu.memory_space<vmem>>, %arg8: memref<8x128xf32, #tpu.memory_space<vmem>>, %arg9: memref<128x64xf32, #tpu.memory_space<vmem>>, %arg10: memref<64x64xf32, #tpu.memory_space<vmem>>, %arg11: memref<64x8xf32, #tpu.memory_space<vmem>>, %arg12: memref<64x64xf32, #tpu.memory_space<vmem>>, %arg13: memref<64x8xf32, #tpu.memory_space<vmem>>, %arg14: memref<2048x4xf32, #tpu.memory_space<vmem>>, %arg15: memref<2048x1xf32, #tpu.memory_space<vmem>>, %arg16: memref<2048x1xf32, #tpu.memory_space<vmem>>) attributes {dimension_semantics = [#tpu.dimension_semantics<arbitrary>], iteration_bounds = array<i64: 64>, scalar_prefetch = 0 : i64, scratch_operands = 0 : i64, tpu.core_type = #tpu.core_type<tc>, window_params = [{transform_indices = @transform_0, window_bounds = array<i64: 2048, 384>}, {transform_indices = @transform_1, window_bounds = array<i64: 64, 256>}, {transform_indices = @transform_2, window_bounds = array<i64: 64, 16>}, {transform_indices = @transform_3, window_bounds = array<i64: 2048, 1>}, {pipeline_mode = #tpu.pipeline_mode<synchronous>, transform_indices = @transform_4, window_bounds = array<i64: 256, 128>}, {pipeline_mode = #tpu.pipeline_mode<synchronous>, transform_indices = @transform_5, window_bounds = array<i64: 256, 128>}, {pipeline_mode = #tpu.pipeline_mode<synchronous>, transform_indices = @transform_6, window_bounds = array<i64: 16, 128>}, {pipeline_mode = #tpu.pipeline_mode<synchronous>, transform_indices = @transform_7, window_bounds = array<i64: 8, 128>}, {pipeline_mode = #tpu.pipeline_mode<synchronous>, transform_indices = @transform_8, window_bounds = array<i64: 128, 64>}, {pipeline_mode = #tpu.pipeline_mode<synchronous>, transform_indices = @transform_9, window_bounds = array<i64: 64, 64>}, {pipeline_mode = #tpu.pipeline_mode<synchronous>, transform_indices = @transform_10, window_bounds = array<i64: 64, 8>}, {pipeline_mode = #tpu.pipeline_mode<synchronous>, transform_indices = @transform_11, window_bounds = array<i64: 64, 64>}, {pipeline_mode = #tpu.pipeline_mode<synchronous>, transform_indices = @transform_12, window_bounds = array<i64: 64, 8>}, {transform_indices = @transform_13, window_bounds = array<i64: 2048, 4>}, {transform_indices = @transform_14, window_bounds = array<i64: 2048, 1>}, {transform_indices = @transform_15, window_bounds = array<i64: 2048, 1>}]} {
    %get3A = arith.constant 0 : index
    %get3A_0 = arith.constant 0 : index
    %get3A_1 = vector.load %arg8[%get3A, %get3A_0] : memref<8x128xf32, #tpu.memory_space<vmem>>, vector<8x128xf32>
    %slice3A = vector.extract_strided_slice %get3A_1 {offsets = [0, 0], sizes = [1, 128], strides = [1, 1]} : vector<8x128xf32> to vector<1x128xf32>
    %slice3A_2 = vector.extract_strided_slice %get3A_1 {offsets = [1, 0], sizes = [1, 64], strides = [1, 1]} : vector<8x128xf32> to vector<1x64xf32>
    %slice3A_3 = vector.extract_strided_slice %get3A_1 {offsets = [2, 0], sizes = [1, 64], strides = [1, 1]} : vector<8x128xf32> to vector<1x64xf32>
    %slice3A_4 = vector.extract_strided_slice %get3A_1 {offsets = [3, 0], sizes = [1, 64], strides = [1, 1]} : vector<8x128xf32> to vector<1x64xf32>
    %slice3A_5 = vector.extract_strided_slice %get3A_1 {offsets = [4, 0], sizes = [1, 4], strides = [1, 1]} : vector<8x128xf32> to vector<1x4xf32>
    %slice3A_6 = vector.extract_strided_slice %get3A_1 {offsets = [5, 0], sizes = [1, 1], strides = [1, 1]} : vector<8x128xf32> to vector<1x1xf32>
    %slice3A_7 = vector.extract_strided_slice %get3A_1 {offsets = [5, 1], sizes = [1, 1], strides = [1, 1]} : vector<8x128xf32> to vector<1x1xf32>
    %get3A_8 = arith.constant 0 : index
    %get3A_9 = arith.constant 0 : index
    %get3A_10 = vector.load %arg1[%get3A_8, %get3A_9] : memref<2048x384xf32, #tpu.memory_space<vmem>>, vector<2048x256xf32>
    %get3A_11 = arith.constant 0 : index
    %get3A_12 = arith.constant 256 : index
    %get3A_13 = vector.load %arg1[%get3A_11, %get3A_12] : memref<2048x384xf32, #tpu.memory_space<vmem>>, vector<2048x128xf32>
    %get3A_14 = arith.constant 0 : index
    %get3A_15 = arith.constant 0 : index
    %get3A_16 = vector.load %arg2[%get3A_14, %get3A_15] : memref<64x256xf32, #tpu.memory_space<vmem>>, vector<64x256xf32>
    %get3A_17 = arith.constant 0 : index
    %get3A_18 = arith.constant 0 : index
    %get3A_19 = vector.load %arg5[%get3A_17, %get3A_18] : memref<256x128xf32, #tpu.memory_space<vmem>>, vector<256x128xf32>
    %dot_general3A = arith.constant dense<0.000000e+00> : vector<64x128xf32>
    %dot_general3A_20 = tpu.matmul %get3A_16, %get3A_19, %dot_general3A {dimension_numbers = #tpu.dot_dimension_numbers<[1], [0], [0], [1], [0, 0, 1, 1], [], []>, transpose_lhs_hint = false} : vector<64x256xf32>, vector<256x128xf32>, vector<64x128xf32> -> vector<64x128xf32>
    %get3A_21 = arith.constant 0 : index
    %get3A_22 = arith.constant 0 : index
    %get3A_23 = vector.load %arg3[%get3A_21, %get3A_22] : memref<64x16xf32, #tpu.memory_space<vmem>>, vector<64x16xf32>
    %get3A_24 = arith.constant 0 : index
    %get3A_25 = arith.constant 0 : index
    %get3A_26 = vector.load %arg7[%get3A_24, %get3A_25] : memref<16x128xf32, #tpu.memory_space<vmem>>, vector<16x128xf32>
    %dot_general3A_27 = arith.constant dense<0.000000e+00> : vector<64x128xf32>
    %dot_general3A_28 = tpu.matmul %get3A_23, %get3A_26, %dot_general3A_27 {dimension_numbers = #tpu.dot_dimension_numbers<[1], [0], [0], [1], [0, 0, 1, 1], [], []>, transpose_lhs_hint = false} : vector<64x16xf32>, vector<16x128xf32>, vector<64x128xf32> -> vector<64x128xf32>
    %add3A = arith.addf %dot_general3A_20, %dot_general3A_28 : vector<64x128xf32>
    %add3A_29 = vector.broadcast %slice3A : vector<1x128xf32> to vector<64x128xf32>
    %add3A_30 = arith.addf %add3A, %add3A_29 : vector<64x128xf32>
    %broadcast_in_dim3A = vector.shape_cast %get3A_16 : vector<64x256xf32> to vector<64x1x256xf32>
    %broadcast_in_dim3A_31 = vector.shape_cast %broadcast_in_dim3A : vector<64x1x256xf32> to vector<64x1x256xf32>
    %broadcast_in_dim3A_32 = vector.broadcast %broadcast_in_dim3A_31 : vector<64x1x256xf32> to vector<64x32x256xf32>
    %reshape3A = vector.shape_cast %broadcast_in_dim3A_32 : vector<64x32x256xf32> to vector<2048x256xf32>
    %broadcast_in_dim3A_33 = vector.shape_cast %add3A_30 : vector<64x128xf32> to vector<64x1x128xf32>
    %broadcast_in_dim3A_34 = vector.shape_cast %broadcast_in_dim3A_33 : vector<64x1x128xf32> to vector<64x1x128xf32>
    %broadcast_in_dim3A_35 = vector.broadcast %broadcast_in_dim3A_34 : vector<64x1x128xf32> to vector<64x32x128xf32>
    %reshape3A_36 = vector.shape_cast %broadcast_in_dim3A_35 : vector<64x32x128xf32> to vector<2048x128xf32>
    %add3A_37 = arith.addf %reshape3A_36, %get3A_13 : vector<2048x128xf32>
    %mul3A = arith.mulf %reshape3A, %get3A_10 : vector<2048x256xf32>
    %get3A_38 = arith.constant 0 : index
    %get3A_39 = arith.constant 0 : index
    %get3A_40 = vector.load %arg6[%get3A_38, %get3A_39] : memref<256x128xf32, #tpu.memory_space<vmem>>, vector<256x128xf32>
    %dot_general3A_41 = arith.constant dense<0.000000e+00> : vector<2048x128xf32>
    %dot_general3A_42 = tpu.matmul %mul3A, %get3A_40, %dot_general3A_41 {dimension_numbers = #tpu.dot_dimension_numbers<[1], [0], [0], [1], [0, 0, 1, 1], [], []>, transpose_lhs_hint = false} : vector<2048x256xf32>, vector<256x128xf32>, vector<2048x128xf32> -> vector<2048x128xf32>
    %add3A_43 = arith.addf %add3A_37, %dot_general3A_42 : vector<2048x128xf32>
    %mul3A_44 = arith.constant 5.000000e-01 : f32
    %mul3A_45 = vector.broadcast %mul3A_44 : f32 to vector<2048x128xf32>
    %mul3A_46 = arith.mulf %mul3A_45, %add3A_43 : vector<2048x128xf32>
    %mul3A_47 = arith.constant 0.707106769 : f32
    %mul3A_48 = vector.broadcast %mul3A_47 : f32 to vector<2048x128xf32>
    %mul3A_49 = arith.mulf %add3A_43, %mul3A_48 : vector<2048x128xf32>
    %erf3A = math.erf %mul3A_49 : vector<2048x128xf32>
    %add3A_50 = arith.constant 1.000000e+00 : f32
    %add3A_51 = vector.broadcast %add3A_50 : f32 to vector<2048x128xf32>
    %add3A_52 = arith.addf %add3A_51, %erf3A : vector<2048x128xf32>
    %mul3A_53 = arith.mulf %mul3A_46, %add3A_52 : vector<2048x128xf32>
    %get3A_54 = arith.constant 0 : index
    %get3A_55 = arith.constant 0 : index
    %get3A_56 = vector.load %arg9[%get3A_54, %get3A_55] : memref<128x64xf32, #tpu.memory_space<vmem>>, vector<128x64xf32>
    %dot_general3A_57 = arith.constant dense<0.000000e+00> : vector<2048x64xf32>
    %dot_general3A_58 = tpu.matmul %mul3A_53, %get3A_56, %dot_general3A_57 {dimension_numbers = #tpu.dot_dimension_numbers<[1], [0], [0], [1], [0, 0, 1, 1], [], []>, transpose_lhs_hint = false} : vector<2048x128xf32>, vector<128x64xf32>, vector<2048x64xf32> -> vector<2048x64xf32>
    %add3A_59 = vector.broadcast %slice3A_2 : vector<1x64xf32> to vector<2048x64xf32>
    %add3A_60 = arith.addf %dot_general3A_58, %add3A_59 : vector<2048x64xf32>
    %get3A_61 = arith.constant 0 : index
    %get3A_62 = arith.constant 0 : index
    %get3A_63 = vector.load %arg10[%get3A_61, %get3A_62] : memref<64x64xf32, #tpu.memory_space<vmem>>, vector<64x64xf32>
    %dot_general3A_64 = arith.constant dense<0.000000e+00> : vector<2048x64xf32>
    %dot_general3A_65 = tpu.matmul %add3A_60, %get3A_63, %dot_general3A_64 {dimension_numbers = #tpu.dot_dimension_numbers<[1], [0], [0], [1], [0, 0, 1, 1], [], []>, transpose_lhs_hint = false} : vector<2048x64xf32>, vector<64x64xf32>, vector<2048x64xf32> -> vector<2048x64xf32>
    %add3A_66 = vector.broadcast %slice3A_3 : vector<1x64xf32> to vector<2048x64xf32>
    %add3A_67 = arith.addf %dot_general3A_65, %add3A_66 : vector<2048x64xf32>
    %mul3A_68 = arith.constant 5.000000e-01 : f32
    %mul3A_69 = vector.broadcast %mul3A_68 : f32 to vector<2048x64xf32>
    %mul3A_70 = arith.mulf %mul3A_69, %add3A_67 : vector<2048x64xf32>
    %mul3A_71 = arith.constant 0.707106769 : f32
    %mul3A_72 = vector.broadcast %mul3A_71 : f32 to vector<2048x64xf32>
    %mul3A_73 = arith.mulf %add3A_67, %mul3A_72 : vector<2048x64xf32>
    %erf3A_74 = math.erf %mul3A_73 : vector<2048x64xf32>
    %add3A_75 = arith.constant 1.000000e+00 : f32
    %add3A_76 = vector.broadcast %add3A_75 : f32 to vector<2048x64xf32>
    %add3A_77 = arith.addf %add3A_76, %erf3A_74 : vector<2048x64xf32>
    %mul3A_78 = arith.mulf %mul3A_70, %add3A_77 : vector<2048x64xf32>
    %get3A_79 = arith.constant 0 : index
    %get3A_80 = arith.constant 0 : index
    %get3A_81 = vector.load %arg11[%get3A_79, %get3A_80] : memref<64x8xf32, #tpu.memory_space<vmem>>, vector<64x8xf32>
    %dot_general3A_82 = arith.constant dense<0.000000e+00> : vector<2048x8xf32>
    %dot_general3A_83 = tpu.matmul %mul3A_78, %get3A_81, %dot_general3A_82 {dimension_numbers = #tpu.dot_dimension_numbers<[1], [0], [0], [1], [0, 0, 1, 1], [], []>, transpose_lhs_hint = false} : vector<2048x64xf32>, vector<64x8xf32>, vector<2048x8xf32> -> vector<2048x8xf32>
    %slice3A_84 = vector.extract_strided_slice %dot_general3A_83 {offsets = [0, 0], sizes = [2048, 1], strides = [1, 1]} : vector<2048x8xf32> to vector<2048x1xf32>
    %add3A_85 = vector.broadcast %slice3A_7 : vector<1x1xf32> to vector<2048x1xf32>
    %add3A_86 = arith.addf %slice3A_84, %add3A_85 : vector<2048x1xf32>
    %tanh3A = math.tanh %add3A_86 : vector<2048x1xf32>
    %max3A = arith.constant 0.000000e+00 : f32
    %max3A_87 = vector.broadcast %max3A : f32 to vector<1x1xf32>
    %max3A_88 = arith.maximumf %slice3A_6, %max3A_87 : vector<1x1xf32>
    %abs3A = math.absf %slice3A_6 : vector<1x1xf32>
    %neg3A = arith.constant 0.000000e+00 : f32
    %neg3A_89 = vector.broadcast %neg3A : f32 to vector<1x1xf32>
    %neg3A_90 = arith.subf %neg3A_89, %abs3A : vector<1x1xf32>
    %exp3A = math.exp %neg3A_90 : vector<1x1xf32>
    %log1p3A = math.log1p %exp3A : vector<1x1xf32>
    %add3A_91 = arith.addf %max3A_88, %log1p3A : vector<1x1xf32>
    %mul3A_92 = vector.broadcast %add3A_91 : vector<1x1xf32> to vector<2048x1xf32>
    %mul3A_93 = arith.mulf %tanh3A, %mul3A_92 : vector<2048x1xf32>
    %get3A_94 = arith.constant 0 : index
    %get3A_95 = arith.constant 0 : index
    %get3A_96 = vector.load %arg12[%get3A_94, %get3A_95] : memref<64x64xf32, #tpu.memory_space<vmem>>, vector<64x64xf32>
    %dot_general3A_97 = arith.constant dense<0.000000e+00> : vector<2048x64xf32>
    %dot_general3A_98 = tpu.matmul %add3A_60, %get3A_96, %dot_general3A_97 {dimension_numbers = #tpu.dot_dimension_numbers<[1], [0], [0], [1], [0, 0, 1, 1], [], []>, transpose_lhs_hint = false} : vector<2048x64xf32>, vector<64x64xf32>, vector<2048x64xf32> -> vector<2048x64xf32>
    %add3A_99 = vector.broadcast %slice3A_4 : vector<1x64xf32> to vector<2048x64xf32>
    %add3A_100 = arith.addf %dot_general3A_98, %add3A_99 : vector<2048x64xf32>
    %mul3A_101 = arith.constant 5.000000e-01 : f32
    %mul3A_102 = vector.broadcast %mul3A_101 : f32 to vector<2048x64xf32>
    %mul3A_103 = arith.mulf %mul3A_102, %add3A_100 : vector<2048x64xf32>
    %mul3A_104 = arith.constant 0.707106769 : f32
    %mul3A_105 = vector.broadcast %mul3A_104 : f32 to vector<2048x64xf32>
    %mul3A_106 = arith.mulf %add3A_100, %mul3A_105 : vector<2048x64xf32>
    %erf3A_107 = math.erf %mul3A_106 : vector<2048x64xf32>
    %add3A_108 = arith.constant 1.000000e+00 : f32
    %add3A_109 = vector.broadcast %add3A_108 : f32 to vector<2048x64xf32>
    %add3A_110 = arith.addf %add3A_109, %erf3A_107 : vector<2048x64xf32>
    %mul3A_111 = arith.mulf %mul3A_103, %add3A_110 : vector<2048x64xf32>
    %get3A_112 = arith.constant 0 : index
    %get3A_113 = arith.constant 0 : index
    %get3A_114 = vector.load %arg13[%get3A_112, %get3A_113] : memref<64x8xf32, #tpu.memory_space<vmem>>, vector<64x8xf32>
    %dot_general3A_115 = arith.constant dense<0.000000e+00> : vector<2048x8xf32>
    %dot_general3A_116 = tpu.matmul %mul3A_111, %get3A_114, %dot_general3A_115 {dimension_numbers = #tpu.dot_dimension_numbers<[1], [0], [0], [1], [0, 0, 1, 1], [], []>, transpose_lhs_hint = false} : vector<2048x64xf32>, vector<64x8xf32>, vector<2048x8xf32> -> vector<2048x8xf32>
    %slice3A_117 = vector.extract_strided_slice %dot_general3A_116 {offsets = [0, 0], sizes = [2048, 4], strides = [1, 1]} : vector<2048x8xf32> to vector<2048x4xf32>
    %add3A_118 = vector.broadcast %slice3A_5 : vector<1x4xf32> to vector<2048x4xf32>
    %add3A_119 = arith.addf %slice3A_117, %add3A_118 : vector<2048x4xf32>
    %max3A_120 = arith.constant 0.000000e+00 : f32
    %max3A_121 = vector.broadcast %max3A_120 : f32 to vector<2048x4xf32>
    %max3A_122 = arith.maximumf %add3A_119, %max3A_121 : vector<2048x4xf32>
    %abs3A_123 = math.absf %add3A_119 : vector<2048x4xf32>
    %neg3A_124 = arith.constant 0.000000e+00 : f32
    %neg3A_125 = vector.broadcast %neg3A_124 : f32 to vector<2048x4xf32>
    %neg3A_126 = arith.subf %neg3A_125, %abs3A_123 : vector<2048x4xf32>
    %exp3A_127 = math.exp %neg3A_126 : vector<2048x4xf32>
    %log1p3A_128 = math.log1p %exp3A_127 : vector<2048x4xf32>
    %add3A_129 = arith.addf %max3A_122, %log1p3A_128 : vector<2048x4xf32>
    %add3A_130 = arith.constant 1.000000e+00 : f32
    %add3A_131 = vector.broadcast %add3A_130 : f32 to vector<2048x4xf32>
    %add3A_132 = arith.addf %add3A_129, %add3A_131 : vector<2048x4xf32>
    %jit3A = arith.constant 1.010000e+00 : f32
    %jit3A_133 = arith.constant 1.000000e+03 : f32
    %max3A_134 = vector.broadcast %jit3A : f32 to vector<2048x4xf32>
    %max3A_135 = arith.maximumf %max3A_134, %add3A_132 : vector<2048x4xf32>
    %min3A = vector.broadcast %jit3A_133 : f32 to vector<2048x4xf32>
    %min3A_136 = arith.minimumf %min3A, %max3A_135 : vector<2048x4xf32>
    %reduce_sum3A = arith.constant dense<0.000000e+00> : vector<2048xf32>
    %reduce_sum3A_137 = vector.multi_reduction <add>, %min3A_136, %reduce_sum3A [1] : vector<2048x4xf32> to vector<2048xf32>
    %broadcast_in_dim3A_138 = vector.shape_cast %reduce_sum3A_137 : vector<2048xf32> to vector<2048x1xf32>
    %div3A = arith.constant 4.000000e+00 : f32
    %div3A_139 = vector.broadcast %div3A : f32 to vector<2048x1xf32>
    %div3A_140 = arith.divf %div3A_139, %broadcast_in_dim3A_138 : vector<2048x1xf32>
    %min3A_141 = arith.constant 9.990000e-01 : f32
    %min3A_142 = vector.broadcast %min3A_141 : f32 to vector<2048x1xf32>
    %min3A_143 = arith.minimumf %div3A_140, %min3A_142 : vector<2048x1xf32>
    %get3A_144 = arith.constant 0 : index
    %get3A_145 = arith.constant 0 : index
    %get3A_146 = vector.load %arg4[%get3A_144, %get3A_145] : memref<2048x1xf32, #tpu.memory_space<vmem>>, vector<2048x1xf32>
    %add3A_147 = arith.addf %get3A_146, %mul3A_93 : vector<2048x1xf32>
    %sub3A = arith.constant 1.000000e+00 : f32
    %sub3A_148 = vector.broadcast %sub3A : f32 to vector<2048x1xf32>
    %sub3A_149 = arith.subf %sub3A_148, %min3A_143 : vector<2048x1xf32>
    %mul3A_150 = arith.mulf %add3A_147, %sub3A_149 : vector<2048x1xf32>
    %swap3A = arith.constant 0 : index
    %swap3A_151 = arith.constant 0 : index
    %swap3A_152 = vector.load %arg14[%swap3A, %swap3A_151] : memref<2048x4xf32, #tpu.memory_space<vmem>>, vector<2048x4xf32>
    tpu.vector_store %arg14[%swap3A, %swap3A_151], %min3A_136 {strides = array<i32>} : memref<2048x4xf32, #tpu.memory_space<vmem>>, vector<2048x4xf32>,
    %swap3A_153 = arith.constant 0 : index
    %swap3A_154 = arith.constant 0 : index
    %swap3A_155 = vector.load %arg15[%swap3A_153, %swap3A_154] : memref<2048x1xf32, #tpu.memory_space<vmem>>, vector<2048x1xf32>
    tpu.vector_store %arg15[%swap3A_153, %swap3A_154], %min3A_143 {strides = array<i32>} : memref<2048x1xf32, #tpu.memory_space<vmem>>, vector<2048x1xf32>,
    %swap3A_156 = arith.constant 0 : index
    %swap3A_157 = arith.constant 0 : index
    %swap3A_158 = vector.load %arg16[%swap3A_156, %swap3A_157] : memref<2048x1xf32, #tpu.memory_space<vmem>>, vector<2048x1xf32>
    tpu.vector_store %arg16[%swap3A_156, %swap3A_157], %mul3A_150 {strides = array<i32>} : memref<2048x1xf32, #tpu.memory_space<vmem>>, vector<2048x1xf32>,
    return
  }
  func.func @transform_0(%arg0: i32) -> (i32, i32) {
    %c0_i32 = arith.constant 0 : i32
    %c0_i32_0 = arith.constant 0 : i32
    return %arg0, %c0_i32 : i32, i32
  }
  func.func @transform_1(%arg0: i32) -> (i32, i32) {
    %c0_i32 = arith.constant 0 : i32
    %c0_i32_0 = arith.constant 0 : i32
    return %arg0, %c0_i32 : i32, i32
  }
  func.func @transform_2(%arg0: i32) -> (i32, i32) {
    %jit3A = arith.constant 32 : i32
    %eq3A = arith.constant 0 : i32
    %eq3A_0 = arith.cmpi eq, %jit3A, %eq3A : i32
    %jit3A_1 = arith.constant 1 : i32
    %select_n3A = arith.select %eq3A_0, %jit3A_1, %jit3A : i32
    %rem3A = arith.remsi %arg0, %select_n3A : i32
    %ne3A = arith.constant 0 : i32
    %ne3A_2 = arith.cmpi ne, %rem3A, %ne3A : i32
    %lt3A = arith.constant 0 : i32
    %lt3A_3 = arith.cmpi slt, %rem3A, %lt3A : i32
    %lt3A_4 = arith.constant 0 : i32
    %lt3A_5 = arith.cmpi slt, %select_n3A, %lt3A_4 : i32
    %ne3A_6 = arith.xori %lt3A_3, %lt3A_5 : i1
    %and3A = arith.andi %ne3A_6, %ne3A_2 : i1
    %add3A = arith.addi %rem3A, %select_n3A : i32
    %select_n3A_7 = arith.select %and3A, %add3A, %rem3A : i32
    %c0_i32 = arith.constant 0 : i32
    %c0_i32_8 = arith.constant 0 : i32
    return %select_n3A_7, %c0_i32 : i32, i32
  }
  func.func @transform_3(%arg0: i32) -> (i32, i32) {
    %c0_i32 = arith.constant 0 : i32
    %c0_i32_0 = arith.constant 0 : i32
    return %arg0, %c0_i32 : i32, i32
  }
  func.func @transform_4(%arg0: i32) -> (i32, i32) {
    %c0_i32 = arith.constant 0 : i32
    %c0_i32_0 = arith.constant 0 : i32
    %c0_i32_1 = arith.constant 0 : i32
    return %c0_i32, %c0_i32_0 : i32, i32
  }
  func.func @transform_5(%arg0: i32) -> (i32, i32) {
    %c0_i32 = arith.constant 0 : i32
    %c0_i32_0 = arith.constant 0 : i32
    %c0_i32_1 = arith.constant 0 : i32
    return %c0_i32, %c0_i32_0 : i32, i32
  }
  func.func @transform_6(%arg0: i32) -> (i32, i32) {
    %c0_i32 = arith.constant 0 : i32
    %c0_i32_0 = arith.constant 0 : i32
    %c0_i32_1 = arith.constant 0 : i32
    return %c0_i32, %c0_i32_0 : i32, i32
  }
  func.func @transform_7(%arg0: i32) -> (i32, i32) {
    %c0_i32 = arith.constant 0 : i32
    %c0_i32_0 = arith.constant 0 : i32
    %c0_i32_1 = arith.constant 0 : i32
    return %c0_i32, %c0_i32_0 : i32, i32
  }
  func.func @transform_8(%arg0: i32) -> (i32, i32) {
    %c0_i32 = arith.constant 0 : i32
    %c0_i32_0 = arith.constant 0 : i32
    %c0_i32_1 = arith.constant 0 : i32
    return %c0_i32, %c0_i32_0 : i32, i32
  }
  func.func @transform_9(%arg0: i32) -> (i32, i32) {
    %c0_i32 = arith.constant 0 : i32
    %c0_i32_0 = arith.constant 0 : i32
    %c0_i32_1 = arith.constant 0 : i32
    return %c0_i32, %c0_i32_0 : i32, i32
  }
  func.func @transform_10(%arg0: i32) -> (i32, i32) {
    %c0_i32 = arith.constant 0 : i32
    %c0_i32_0 = arith.constant 0 : i32
    %c0_i32_1 = arith.constant 0 : i32
    return %c0_i32, %c0_i32_0 : i32, i32
  }
  func.func @transform_11(%arg0: i32) -> (i32, i32) {
    %c0_i32 = arith.constant 0 : i32
    %c0_i32_0 = arith.constant 0 : i32
    %c0_i32_1 = arith.constant 0 : i32
    return %c0_i32, %c0_i32_0 : i32, i32
  }
  func.func @transform_12(%arg0: i32) -> (i32, i32) {
    %c0_i32 = arith.constant 0 : i32
    %c0_i32_0 = arith.constant 0 : i32
    %c0_i32_1 = arith.constant 0 : i32
    return %c0_i32, %c0_i32_0 : i32, i32
  }
  func.func @transform_13(%arg0: i32) -> (i32, i32) {
    %c0_i32 = arith.constant 0 : i32
    %c0_i32_0 = arith.constant 0 : i32
    return %arg0, %c0_i32 : i32, i32
  }
  func.func @transform_14(%arg0: i32) -> (i32, i32) {
    %c0_i32 = arith.constant 0 : i32
    %c0_i32_0 = arith.constant 0 : i32
    return %arg0, %c0_i32 : i32, i32
  }
  func.func @transform_15(%arg0: i32) -> (i32, i32) {
    %c0_i32 = arith.constant 0 : i32
    %c0_i32_0 = arith.constant 0 : i32
    return %arg0, %c0_i32 : i32, i32
  }
}

module attributes {stable_mosaic.version = 14 : i64} {
  func.func @_sym_kernel(%arg0: i32, %arg1: i32, %arg2: i32, %arg3: memref<1x256x256xf32, #tpu.memory_space<vmem>>, %arg4: memref<1x256x256xf32, #tpu.memory_space<vmem>>, %arg5: memref<1x256x256xf32, #tpu.memory_space<vmem>>, %arg6: memref<1x256x1xf32, #tpu.memory_space<vmem>>, %arg7: memref<256x1xf32, #tpu.memory_space<vmem>>) attributes {dimension_semantics = [#tpu.dimension_semantics<arbitrary>, #tpu.dimension_semantics<arbitrary>, #tpu.dimension_semantics<arbitrary>], iteration_bounds = array<i64: 2, 8, 8>, scalar_prefetch = 0 : i64, scratch_operands = 1 : i64, tpu.core_type = #tpu.core_type<tc>, window_params = [{transform_indices = @transform_0, window_bounds = array<i64: 1, 256, 256>}, {transform_indices = @transform_1, window_bounds = array<i64: 1, 256, 256>}, {transform_indices = @transform_2, window_bounds = array<i64: 1, 256, 256>}, {transform_indices = @transform_3, window_bounds = array<i64: 1, 256, 1>}]} {
    %get3A = arith.constant 0 : index
    %get3A_0 = arith.constant 0 : index
    %get3A_1 = arith.constant 0 : index
    %get3A_2 = vector.load %arg3[%get3A, %get3A_0, %get3A_1] : memref<1x256x256xf32, #tpu.memory_space<vmem>>, vector<1x256x256xf32>
    %get3A_3 = vector.shape_cast %get3A_2 : vector<1x256x256xf32> to vector<256x256xf32>
    %get3A_4 = arith.constant 0 : index
    %get3A_5 = arith.constant 0 : index
    %get3A_6 = arith.constant 0 : index
    %get3A_7 = vector.load %arg4[%get3A_4, %get3A_5, %get3A_6] : memref<1x256x256xf32, #tpu.memory_space<vmem>>, vector<1x256x256xf32>
    %get3A_8 = vector.shape_cast %get3A_7 : vector<1x256x256xf32> to vector<256x256xf32>
    %iota3A = tpu.iota {dimensions = array<i32: 0>} : vector<256x256xi32>
    %iota3A_9 = tpu.iota {dimensions = array<i32: 1>} : vector<256x256xi32>
    %eq3A = arith.cmpi eq, %iota3A, %iota3A_9 : vector<256x256xi32>
    %convert_element_type3A = arith.extui %eq3A : vector<256x256xi1> to vector<256x256xi32>
    %convert_element_type3A_10 = arith.sitofp %convert_element_type3A : vector<256x256xi32> to vector<256x256xf32>
    %dot_general3A = arith.constant dense<0.000000e+00> : vector<256x256xf32>
    %dot_general3A_11 = tpu.matmul %get3A_8, %convert_element_type3A_10, %dot_general3A {dimension_numbers = #tpu.dot_dimension_numbers<[0], [0], [1], [1], [0, 1, 1, 1], [], []>, transpose_lhs_hint = false} : vector<256x256xf32>, vector<256x256xf32>, vector<256x256xf32> -> vector<256x256xf32>
    %add3A = arith.addf %get3A_3, %dot_general3A_11 : vector<256x256xf32>
    %max3A = arith.constant 0.000000e+00 : f32
    %max3A_12 = vector.broadcast %max3A : f32 to vector<256x256xf32>
    %max3A_13 = arith.maximumf %add3A, %max3A_12 : vector<256x256xf32>
    %mul3A = arith.constant 5.000000e-01 : f32
    %mul3A_14 = vector.broadcast %mul3A : f32 to vector<256x256xf32>
    %mul3A_15 = arith.mulf %max3A_13, %mul3A_14 : vector<256x256xf32>
    %swap3A = arith.constant 0 : index
    %swap3A_16 = arith.constant 0 : index
    %swap3A_17 = arith.constant 0 : index
    %swap3A_18 = vector.load %arg5[%swap3A, %swap3A_16, %swap3A_17] : memref<1x256x256xf32, #tpu.memory_space<vmem>>, vector<1x256x256xf32>
    %swap3A_19 = vector.shape_cast %swap3A_18 : vector<1x256x256xf32> to vector<256x256xf32>
    %swap3A_20 = vector.shape_cast %mul3A_15 : vector<256x256xf32> to vector<1x256x256xf32>
    tpu.vector_store %arg5[%swap3A, %swap3A_16, %swap3A_17], %swap3A_20 {strides = array<i32>} : memref<1x256x256xf32, #tpu.memory_space<vmem>>, vector<1x256x256xf32>,
    %reduce_sum3A = arith.constant dense<0.000000e+00> : vector<256xf32>
    %reduce_sum3A_21 = vector.multi_reduction <add>, %mul3A_15, %reduce_sum3A [1] : vector<256x256xf32> to vector<256xf32>
    %broadcast_in_dim3A = vector.shape_cast %reduce_sum3A_21 : vector<256xf32> to vector<256x1xf32>
    %eq3A_22 = arith.constant 0 : i32
    %eq3A_23 = arith.cmpi eq, %arg2, %eq3A_22 : i32
    %convert_element_type3A_24 = arith.extui %eq3A_23 : i1 to i32
    %cond3A = arith.constant 0 : i32
    %cond3A_25 = arith.cmpi ne, %convert_element_type3A_24, %cond3A : i32
    scf.if %cond3A_25 {
      %swap3A_35 = arith.constant 0 : index
      %swap3A_36 = arith.constant 0 : index
      %swap3A_37 = vector.load %arg7[%swap3A_35, %swap3A_36] : memref<256x1xf32, #tpu.memory_space<vmem>>, vector<256x1xf32>
      tpu.vector_store %arg7[%swap3A_35, %swap3A_36], %broadcast_in_dim3A {strides = array<i32>} : memref<256x1xf32, #tpu.memory_space<vmem>>, vector<256x1xf32>,
    } else {
    }
    %gt3A = arith.constant 0 : i32
    %gt3A_26 = arith.cmpi sgt, %arg2, %gt3A : i32
    %convert_element_type3A_27 = arith.extui %gt3A_26 : i1 to i32
    %cond3A_28 = arith.constant 0 : i32
    %cond3A_29 = arith.cmpi ne, %convert_element_type3A_27, %cond3A_28 : i32
    scf.if %cond3A_29 {
      %get3A_35 = arith.constant 0 : index
      %get3A_36 = arith.constant 0 : index
      %get3A_37 = vector.load %arg7[%get3A_35, %get3A_36] : memref<256x1xf32, #tpu.memory_space<vmem>>, vector<256x1xf32>
      %add3A_38 = arith.addf %get3A_37, %broadcast_in_dim3A : vector<256x1xf32>
      %swap3A_39 = arith.constant 0 : index
      %swap3A_40 = arith.constant 0 : index
      %swap3A_41 = vector.load %arg7[%swap3A_39, %swap3A_40] : memref<256x1xf32, #tpu.memory_space<vmem>>, vector<256x1xf32>
      tpu.vector_store %arg7[%swap3A_39, %swap3A_40], %add3A_38 {strides = array<i32>} : memref<256x1xf32, #tpu.memory_space<vmem>>, vector<256x1xf32>,
    } else {
    }
    %eq3A_30 = arith.constant 7 : i32
    %eq3A_31 = arith.cmpi eq, %arg2, %eq3A_30 : i32
    %convert_element_type3A_32 = arith.extui %eq3A_31 : i1 to i32
    %cond3A_33 = arith.constant 0 : i32
    %cond3A_34 = arith.cmpi ne, %convert_element_type3A_32, %cond3A_33 : i32
    scf.if %cond3A_34 {
      %get3A_35 = arith.constant 0 : index
      %get3A_36 = arith.constant 0 : index
      %get3A_37 = vector.load %arg7[%get3A_35, %get3A_36] : memref<256x1xf32, #tpu.memory_space<vmem>>, vector<256x1xf32>
      %swap3A_38 = arith.constant 0 : index
      %swap3A_39 = arith.constant 0 : index
      %swap3A_40 = arith.constant 0 : index
      %swap3A_41 = vector.load %arg6[%swap3A_38, %swap3A_39, %swap3A_40] : memref<1x256x1xf32, #tpu.memory_space<vmem>>, vector<1x256x1xf32>
      %swap3A_42 = vector.shape_cast %swap3A_41 : vector<1x256x1xf32> to vector<256x1xf32>
      %swap3A_43 = vector.shape_cast %get3A_37 : vector<256x1xf32> to vector<1x256x1xf32>
      tpu.vector_store %arg6[%swap3A_38, %swap3A_39, %swap3A_40], %swap3A_43 {strides = array<i32>} : memref<1x256x1xf32, #tpu.memory_space<vmem>>, vector<1x256x1xf32>,
    } else {
    }
    return
  }
  func.func @transform_0(%arg0: i32, %arg1: i32, %arg2: i32) -> (i32, i32, i32) {
    %c0_i32 = arith.constant 0 : i32
    return %arg0, %arg1, %arg2 : i32, i32, i32
  }
  func.func @transform_1(%arg0: i32, %arg1: i32, %arg2: i32) -> (i32, i32, i32) {
    %c0_i32 = arith.constant 0 : i32
    return %arg0, %arg2, %arg1 : i32, i32, i32
  }
  func.func @transform_2(%arg0: i32, %arg1: i32, %arg2: i32) -> (i32, i32, i32) {
    %c0_i32 = arith.constant 0 : i32
    return %arg0, %arg1, %arg2 : i32, i32, i32
  }
  func.func @transform_3(%arg0: i32, %arg1: i32, %arg2: i32) -> (i32, i32, i32) {
    %c0_i32 = arith.constant 0 : i32
    %c0_i32_0 = arith.constant 0 : i32
    return %arg0, %arg1, %c0_i32 : i32, i32, i32
  }
}

module attributes {stable_mosaic.version = 14 : i64} {
  func.func @_norm_kernel(%arg0: i32, %arg1: i32, %arg2: i32, %arg3: memref<1x256x256xf32, #tpu.memory_space<vmem>>, %arg4: memref<1x256x1xf32, #tpu.memory_space<vmem>>, %arg5: memref<1x256x256xf32, #tpu.memory_space<vmem>>) attributes {dimension_semantics = [#tpu.dimension_semantics<arbitrary>, #tpu.dimension_semantics<arbitrary>, #tpu.dimension_semantics<arbitrary>], iteration_bounds = array<i64: 2, 8, 8>, scalar_prefetch = 0 : i64, scratch_operands = 0 : i64, tpu.core_type = #tpu.core_type<tc>, window_params = [{transform_indices = @transform_0, window_bounds = array<i64: 1, 256, 256>}, {transform_indices = @transform_1, window_bounds = array<i64: 1, 256, 1>}, {transform_indices = @transform_2, window_bounds = array<i64: 1, 256, 256>}]} {
    %get3A = arith.constant 0 : index
    %get3A_0 = arith.constant 0 : index
    %get3A_1 = arith.constant 0 : index
    %get3A_2 = vector.load %arg4[%get3A, %get3A_0, %get3A_1] : memref<1x256x1xf32, #tpu.memory_space<vmem>>, vector<1x256x1xf32>
    %get3A_3 = vector.shape_cast %get3A_2 : vector<1x256x1xf32> to vector<256x1xf32>
    %max3A = arith.constant 9.99999993E-9 : f32
    %max3A_4 = vector.broadcast %max3A : f32 to vector<256x1xf32>
    %max3A_5 = arith.maximumf %get3A_3, %max3A_4 : vector<256x1xf32>
    %get3A_6 = arith.constant 0 : index
    %get3A_7 = arith.constant 0 : index
    %get3A_8 = arith.constant 0 : index
    %get3A_9 = vector.load %arg3[%get3A_6, %get3A_7, %get3A_8] : memref<1x256x256xf32, #tpu.memory_space<vmem>>, vector<1x256x256xf32>
    %get3A_10 = vector.shape_cast %get3A_9 : vector<1x256x256xf32> to vector<256x256xf32>
    %div3A = vector.broadcast %max3A_5 : vector<256x1xf32> to vector<256x256xf32>
    %div3A_11 = arith.divf %get3A_10, %div3A : vector<256x256xf32>
    %swap3A = arith.constant 0 : index
    %swap3A_12 = arith.constant 0 : index
    %swap3A_13 = arith.constant 0 : index
    %swap3A_14 = vector.load %arg5[%swap3A, %swap3A_12, %swap3A_13] : memref<1x256x256xf32, #tpu.memory_space<vmem>>, vector<1x256x256xf32>
    %swap3A_15 = vector.shape_cast %swap3A_14 : vector<1x256x256xf32> to vector<256x256xf32>
    %swap3A_16 = vector.shape_cast %div3A_11 : vector<256x256xf32> to vector<1x256x256xf32>
    tpu.vector_store %arg5[%swap3A, %swap3A_12, %swap3A_13], %swap3A_16 {strides = array<i32>} : memref<1x256x256xf32, #tpu.memory_space<vmem>>, vector<1x256x256xf32>,
    return
  }
  func.func @transform_0(%arg0: i32, %arg1: i32, %arg2: i32) -> (i32, i32, i32) {
    %c0_i32 = arith.constant 0 : i32
    return %arg0, %arg1, %arg2 : i32, i32, i32
  }
  func.func @transform_1(%arg0: i32, %arg1: i32, %arg2: i32) -> (i32, i32, i32) {
    %c0_i32 = arith.constant 0 : i32
    %c0_i32_0 = arith.constant 0 : i32
    return %arg0, %arg1, %c0_i32 : i32, i32, i32
  }
  func.func @transform_2(%arg0: i32, %arg1: i32, %arg2: i32) -> (i32, i32, i32) {
    %c0_i32 = arith.constant 0 : i32
    return %arg0, %arg1, %arg2 : i32, i32, i32
  }
}

</mosaic_0001>

<sc_bundles>
// kernel: kernel.12.cloned.1.call-start
scs
__scs_entry_jumppad:
0x0: {  	(pc) =	sbr.rel $0x88, $3  }
0x1: {  	(tag) =	ssettag $0x0;
	lr =	simm.s32 $0x1  }
0x2: {  	[smem:$0x3F91] =	sst lr;
	_ =	strace $0xD0000000  }
0x3: {  	_ = 	snop  }
0x4: {  	_ = 	snop  }
0x5: {  	_ = 	snop  }
0x6: {  	_ = 	snop  }
0x7: {  	_ = 	snop  }
__scs_overlays_trampoline_lowered:
0x8: {  	[smem:$0x3FA0] =	sst s0  }
0x9: {  	[smem:$0x3FA1] =	sst s1  }
0xa: {  	[smem:$0x3FA2] =	sst s2  }
0xb: {  	[smem:$0x3FA3] =	sst s3  }
0xc: {  	[smem:$0x3FA4] =	sst s4  }
0xd: {  	[smem:$0x3FA5] =	sst s5  }
0xe: {  	[smem:$0x3FA6] =	sst s6  }
0xf: {  	[smem:$0x3FA7] =	sst s7  }
0x10: {  	[smem:$0x3FA8] =	sst s8  }
0x11: {  	[smem:$0x3FA9] =	sst s9;
	s0 =	simm.s32 @!p0 $0x0  }
0x12: {  	s1 =	sld [smem:$0x3F8F];
	s0 =	simm.s32 @p0 $0x1  }
0x13: {  	[smem:$0x3FAA] =	sst s0;
	s0 =	simm.s32 @!p1 $0x0  }
0x14: {  	s2 =	sld [smem:$0x3F8E];
	s0 =	simm.s32 @p1 $0x1  }
0x15: {  	[smem:$0x3FAB] =	sst s0;
	s0 =	simm.s32 @!p2 $0x0  }
0x16: {  	s3 =	sld [smem:$0x3FDB];
	s0 =	simm.s32 @p2 $0x1  }
0x17: {  	s4 =	simm.s32 $0x1BF5;
	[smem:$0x3FAD] =	sst s0  }
0x18: {  	s0 =	sld [smem:$0x3F90];
	_ =	swait.ge [sflag:s4], $0x0  }
0x19: {  	s7 =	sld [smem:$0x3F91]  }
0x1a: {  	s8 =	sadd.s32 $0xFFFFE003, lr  }
0x1b: {  	s9 =	sadd.s32 $0xFFFFFEF7, lr;
	s5 =	simm.s32 $0xFFFFFFFF;
	p2 =	slt.u32 s8, $0xFFFFF086  }
0x1c: {  	p1 =	slt.u32 s9, $0xF7A;
	s5 =	simm.s32 @!p2 $0x0  }
0x1d: {  	s5 =	simm.s32 @p1 $0x1;
	p0 =	seq.s32 s7, s2  }
0x1e: {  	s7 =	smul.u32 @!p0 $0xF7A, s2;
	p2 =	seq.s32 @!p0 s5, $0x0  }
0x1f: {  	s9 =	smul.u32 $0xF7A, s1;
	s8 =	simm.s32 @!p0 $0x1BF5;
	p2 =	por !p2, p0  }
0x20: {  	[sflag:s8] =	ssyncset.s32 @!p0 $0xFFFFF086;
	s6 =	sadd.s32 @!p0 s3, s7;
	s7 =	simm.s32 @!p0 $0x108  }
0x21: {  	s3 =	sadd.s32 s3, s9;
	s6 =	sadd.s32 @!p0 $0x88, s6;
	s7 =	simm.s32 @p2 $0x1082  }
0x22: {  	[simem:s7], [sflag:s8] =	dma.local @!p0 [hbm:s6], $0xF7A  }
0x23: {  	s9 =	sor.u32 $0xD0000000, s2;
	s6 =	simm.s32 $0x108;
	_ =	swait.ge @!p0 [sflag:s8], $0x0  }
0x24: {  	s3 =	sadd.s32 $0x88, s3;
	s6 =	simm.s32 @!p1 $0x1082;
	[sflag:s4] =	ssyncset.s32 $0xFFFFF086  }
0x25: {  	[simem:s6], [sflag:s4] =	dma.local [hbm:s3], $0xF7A  }
0x26: {  	[smem:$0x3F91] =	sst s1;
	(tag) =	ssettag s2;
	_ =	strace s9  }
0x27: {  	s1 =	sld [smem:$0x3FA1]  }
0x28: {  	s2 =	sld [smem:$0x3FA2]  }
0x29: {  	s4 =	sld [smem:$0x3FA4]  }
0x2a: {  	p0 =	seq.s32 s5, $0x0;
	s5 =	sld [smem:$0x3FA5]  }
0x2b: {  	s6 =	sld [smem:$0x3FA6]  }
0x2c: {  	s7 =	sld [smem:$0x3FA7]  }
0x2d: {  	s3 =	simm.s32 $0x108;
	s8 =	sld [smem:$0x3FA8]  }
0x2e: {  	s3 =	simm.s32 @!p0 $0x1082;
	s9 =	sld [smem:$0x3FA9]  }
0x2f: {  	lr =	sadd.s32 s0, s3;
	s0 =	sld [smem:$0x3FA0]  }
0x30: {  	s3 =	sld [smem:$0x3FA3]  }
0x31: {  	[smem:$0x3FAC] =	sst s10  }
0x32: {  	s10 =	sld [smem:$0x3FAA];
	_ =	sdelay $0x3  }
0x33: {  	p0 =	seq.s32 s10, $0x1;
	s10 =	sld [smem:$0x3FAC];
	_ =	sdelay $0x3  }
0x34: {  	[smem:$0x3FAC] =	sst s10  }
0x35: {  	s10 =	sld [smem:$0x3FAB];
	_ =	sdelay $0x3  }
0x36: {  	p1 =	seq.s32 s10, $0x1;
	s10 =	sld [smem:$0x3FAC];
	_ =	sdelay $0x3  }
0x37: {  	[smem:$0x3FAC] =	sst s10  }
0x38: {  	s10 =	sld [smem:$0x3FAD]  }
0x39: {  	_ = 	snop;
	(pc) =	sbr.ind lr, $3  }
0x3a: {  	_ = 	snop  }
0x3b: {  	_ = 	snop  }
0x3c: {  	p2 =	seq.s32 s10, $0x1;
	s10 =	sld [smem:$0x3FAC]  }
0x3d: {  	_ =	shalt  }
0x3e: {  	_ =	shalt  }
0x3f: {  	_ =	shalt  }
0x40: {  	_ =	shalt  }
0x41: {  	_ =	shalt  }
0x42: {  	_ =	shalt  }
0x43: {  	_ =	shalt  }
0x44: {  	_ =	shalt  }
0x45: {  	_ =	shalt  }
0x46: {  	_ =	shalt  }
0x47: {  	_ =	shalt  }
0x48: {  	_ =	shalt  }
0x49: {  	_ =	shalt  }
0x4a: {  	_ =	shalt  }
0x4b: {  	_ =	shalt  }
0x4c: {  	_ =	shalt  }
0x4d: {  	_ =	shalt  }
0x4e: {  	_ =	shalt  }
0x4f: {  	_ =	shalt  }
0x50: {  	_ =	shalt  }
0x51: {  	_ =	shalt  }
0x52: {  	_ =	shalt  }
0x53: {  	_ =	shalt  }
0x54: {  	_ =	shalt  }
0x55: {  	_ =	shalt  }
0x56: {  	_ =	shalt  }
0x57: {  	_ =	shalt  }
0x58: {  	_ =	shalt  }
0x59: {  	_ =	shalt  }
0x5a: {  	_ =	shalt  }
0x5b: {  	_ =	shalt  }
0x5c: {  	_ =	shalt  }
0x5d: {  	_ =	shalt  }
0x5e: {  	_ =	shalt  }
0x5f: {  	_ =	shalt  }
0x60: {  	_ =	shalt  }
0x61: {  	_ =	shalt  }
0x62: {  	_ =	shalt  }
0x63: {  	_ =	shalt  }
0x64: {  	_ =	shalt  }
0x65: {  	_ =	shalt  }
0x66: {  	_ =	shalt  }
0x67: {  	_ =	shalt  }
0x68: {  	_ =	shalt  }
0x69: {  	_ =	shalt  }
0x6a: {  	_ =	shalt  }
0x6b: {  	_ =	shalt  }
0x6c: {  	_ =	shalt  }
0x6d: {  	_ =	shalt  }
0x6e: {  	_ =	shalt  }
0x6f: {  	_ =	shalt  }
0x70: {  	_ =	shalt  }
0x71: {  	_ =	shalt  }
0x72: {  	_ =	shalt  }
0x73: {  	_ =	shalt  }
0x74: {  	_ =	shalt  }
0x75: {  	_ =	shalt  }
0x76: {  	_ =	shalt  }
0x77: {  	_ =	shalt  }
0x78: {  	_ =	shalt  }
0x79: {  	_ =	shalt  }
0x7a: {  	_ =	shalt  }
0x7b: {  	_ =	shalt  }
0x7c: {  	_ =	shalt  }
0x7d: {  	_ =	shalt  }
0x7e: {  	_ =	shalt  }
0x7f: {  	_ =	shalt  }
0x80: {  	_ =	shalt  }
0x81: {  	_ =	shalt  }
0x82: {  	_ =	shalt  }
0x83: {  	_ =	shalt  }
0x84: {  	_ =	shalt  }
0x85: {  	_ =	shalt  }
0x86: {  	_ =	shalt  }
0x87: {  	_ =	shalt  }
.Lfunc_end0:
.L_simem_size_0:
called_computation.1_lowered:
.L_overlay_start_0:
0x88: {  	s2 =	sld [smem:$0x3FD9]  }
0x89: {  	s3 =	sld [smem:$0x3FFE];
	_ =	sdelay $0x1  }
0x8a: {  	s1 =	srdreg.scid  }
0x8b: {  	s0 =	sand.u32 $0x1, s1  }
0x8c: {  	s14 =	sshll.u32 s0, $0xA;
	s2 =	sadd.s32 s3, s2  }
0x8d: {  	s2 =	sadd.s32 s2, s14  }
0x8e: {  	[smem:$0x3FB8] =	sst s2  }
0x8f: {  	_ = 	snop  }
0x90: {  	s2 =	sld [smem:$0x3FD0];
	_ =	sdelay $0x2  }
0x91: {  	s15 =	simm.s32 $0xA;
	s4 =	simm.s32 $0x10  }
0x92: {  	[smem:s4], [sflag:s15] =	dma.local [hbm:s2], $0x1  }
0x93: {  	_ =	swait.eq [sflag:s15], $0x1  }
0x94: {  	[sflag:s15] =	ssyncset.done $0x0  }
0x95: {  	s16 =	sld [smem:$0x10];
	[sflag:s15] =	ssyncadd.s32 $0xFFFFFFFF  }
0x96: {  	s17 =	sld [smem:$0x11];
	(tm) =	ssettm $0x1  }
0x97: {  	s18 =	sld [smem:$0x3FFB];
	_ =	sdelay $0x3  }
0x98: {  	_ =	strace s18  }
0x99: {  	s4 =	sld [smem:$0x3FFC];
	_ =	sdelay $0x3  }
0x9a: {  	_ =	strace s4  }
0x9b: {  	s4 =	sld [smem:$0x3FFD];
	_ =	sdelay $0x3  }
0x9c: {  	_ =	strace s4  }
0x9d: {  	_ =	strace $0x8FFFFFFF  }
0x9e: {  	s19 =	sld [smem:$0x3FDB];
	_ =	sdelay $0x1  }
0x9f: {  	s5 =	simm.s32 $_scs_section_size  }
0xa0: {  	s6 =	simm.s32 $_size__tile_overlayer_lowered;
	s7 =	simm.s32 $_tile_overlayer_lowered  }
0xa1: {  	s22 =	simm.s32 $0x1BFF;
	s21 =	sshll.u32 s7, $0x1;
	s4 =	sadd.s32 s5, s19  }
0xa2: {  	s8 =	simm.s32 $0x0;
	s20 =	sshll.u32 s6, $0x1;
	s6 =	sadd.s32 s21, s4  }
0xa3: {  	[timem:s8], [sflag:s22] =	dma.local [hbm:s6], s20  }
0xa4: {  	_ =	swait.ge [sflag:s22], s20  }
0xa5: {  	s5 =	ssub.s32 $0x0, s20;
	[sflag:s22] =	ssyncset.done $0x0  }
0xa6: {  	[sflag:s22] =	ssyncadd.s32 s5;
	_ =	sdelay $0x1  }
0xa7: {  	s23 =	simm.s32 $0x1B8B  }
0xa8: {  	_ =	swait.ge [sflag:s23], $0x1  }
0xa9: {  	[sflag:s23] =	ssyncset.done $0x0  }
0xaa: {  	s25 =	simm.s32 $0x1B8E;
	s24 =	sld [smem:$0x3FFE];
	[sflag:s23] =	ssyncadd.s32 $0xFFFFFFFF  }
0xab: {  	s26 =	simm.s32 $execute0_lowered;
	[smem:$0x3FD2] =	sst s25  }
0xac: {  	s6 =	sshll.u32 s26, $0x1;
	_ =	strace $0x80000049;
	[dreg:$0x1] =	wrdreg $0xFFFFFFFF  }
0xad: {  	s28 =	simm.s32 $_size_execute0_lowered;
	s4 =	sadd.s32 s4, s6;
	[dreg:$0x0] =	wrdreg $0x0  }
0xae: {  	s6 =	sshll.u32 s28, $0x1;
	[dreg:$0x2] =	wrdreg s4  }
0xaf: {  	[dreg:$0x3] =	wrdreg s6  }
0xb0: {  	[dreg:$0x4] =	wrdreg $0xC0  }
0xb1: {  	_ =	task [dreg:s8], $0x5FFFF  }
0xb2: {  	[dreg:$0x1] =	wrdreg $0xFFFFFFFF  }
0xb3: {  	[dreg:$0x0] =	wrdreg $0x60  }
0xb4: {  	[dreg:$0x2] =	wrdreg s24  }
0xb5: {  	[dreg:$0x3] =	wrdreg s17  }
0xb6: {  	[dreg:$0x4] =	wrdreg s16  }
0xb7: {  	[dreg:$0x5] =	wrdreg $0x9  }
0xb8: {  	_ =	task.clear_ibuf [dreg:s8], $0x6FFFF;
	_ =	strace $0x90000049  }
0xb9: {  	s29 =	simm.s32 $0x9;
	_ =	strace $0x8000004B  }
0xba: {  	_ =	swait.ge [sflag:s29], $0x1  }
0xbb: {  	[sflag:s29] =	ssyncadd.s32 $0xFFFFFFFF  }
0xbc: {  	_ =	strace $0x9000004B  }
0xbd: {  	_ =	sfence  }
0xbe: {  	s30 =	sld [smem:$0x0];
	_ =	sdelay $0x2  }
0xbf: {  	s31 =	sshll.u32 s1, $0xD;
	s1 =	sshrl.u32 s1, $0x2  }
0xc0: {  	s3 =	sand.u32 $0x4000, s31;
	s1 =	sadd.s32 s1, s30  }
0xc1: {  	s0 =	sor.u32 s3, s0;
	s1 =	sshll.u32 s1, $0x11  }
0xc2: {  	s0 =	sor.u32 s1, s0  }
0xc3: {  	s0 =	sadd.s32 $0x8F2B, s0  }
0xc4: {  	[sflag:s0] =	ssyncadd.remote.s32 $0x1  }
0xc5: {  	_ =	sfence.sel $0xFFFF  }
0xc6: {  	[dreg:$0x0] =	wrdreg $0xFFFFFFFF;
	(pc) =	sbr.abs _section_cstart, $3  }
0xc7: {  	[dreg:$0x1] =	wrdreg $0xFFFFFFFF  }
0xc8: {  	_ =	task.clear_ibuf [dreg:s8], $0x2FFFF;
	_ =	strace $0x9FFFFFFF  }
0xc9: {  	(tm) =	ssettm $0x7FFFFFFF  }
tec
execute0_lowered:
.L_overlay_start_1:
0x0: {  	(tag) =	ssettag $0x1  }
0x1: {  	s3 =	rddreg [dreg:$0x0]  }
0x2: {  	s4 =	rddreg [dreg:$0x1]  }
0x3: {  	s8 =	rddreg [dreg:$0x2]  }
0x4: {  	s0 =	rddreg [dreg:$0x3];
	s2 =	simm.s32 $0x0;
	s5 =	srdreg.scid  }
0x5: {  	s1 =	stileid.u32;
	s13 =	simm.s32 $0x7000;
	s14 =	simm.s32 $0x1  }
0x6: {  	s15 =	simm.s32 $0x2;
	s16 =	simm.s32 $0x0;
	[smem:$0x7FF] =	sst s2  }
0x7: {  	s5 =	sand.u32 $0x1, s5;
	s6 =	sshll.u32 s1, $0xA;
	s9 =	sshll.u32 s1, $0x10  }
0x8: {  	_ =	strace $0x8000004A;
	s7 =	sshll.u32 s5, $0x9;
	s29 =	ssub.s32 $0x2, s5  }
0x9: {  	s11 =	sadd.s32 s9, s3;
	s12 =	sshll.u32 s5, $0xF;
	s8 =	sadd.s32 s9, s8  }
0xa: {  	s9 =	simm.s32 $0x3;
	s6 =	sor.u32 s7, s6;
	s30 =	sshrl.u32 s29, $0x1  }
0xb: {  	s31 =	sadd.s32 s12, s11;
	s8 =	sadd.s32 s12, s8;
	s11 =	simm.s32 $0x2000  }
0xc: {  	s12 =	simm.s32 $0x3000;
	s10 =	sadd.s32 s6, s3;
	s7 =	ssub.s32 s29, s30  }
0xd: {  	s4 =	sadd.s32 s4, s6;
	s3 =	sadd.s32 $0x611400, s10;
	s5 =	sadd.s32 $0x615400, s10  }
0xe: {  	v0 =	vimm.f32 $0.0e+00;
	s6 =	smax.u32 s7, $0x1;
	s7 =	sadd.s32 $0x619400, s31;
	s10 =	simm.s32 $0x1000  }
.LBB2_1:
0xf: {  	[tilespmem:s2], [sflag:$0x3] =	stream.linear.gather [hbm4b:s3+s2], $0x1000, $0x38;
	[tilespmem:$0xB000] =	vst v63  }
0x10: {  	_ =	swait.ge [sflag:s9], $0x1000  }
0x11: {  	[sflag:s9] =	ssyncset.done $0x0  }
0x12: {  	[sflag:s9] =	ssyncadd.s32 $0xFFFFF000  }
0x13: {  	[tilespmem:s10], [sflag:$0x3] =	stream.linear.gather [hbm4b:s4+s2], $0x1000, $0x38;
	[tilespmem:$0xB000] =	vst v63  }
0x14: {  	_ =	swait.ge [sflag:s9], $0x1000  }
0x15: {  	[sflag:s9] =	ssyncset.done $0x0  }
0x16: {  	[sflag:s9] =	ssyncadd.s32 $0xFFFFF000  }
0x17: {  	[tilespmem:s11], [sflag:$0x3] =	stream.linear.gather [hbm4b:s5+s2], $0x1000, $0x38;
	[tilespmem:$0xB000] =	vst v63  }
0x18: {  	_ =	swait.ge [sflag:s9], $0x1000  }
0x19: {  	[sflag:s9] =	ssyncset.done $0x0  }
0x1a: {  	s17 =	simm.s32 $0x0;
	[sflag:s9] =	ssyncadd.s32 $0xFFFFF000  }
.LBB2_2:
0x1b: {  	p0 =	sne.s32 s17, $0xFFC0  }
.Ltmp0:
0x1c: {  	_ = 	snop;
	(pc) =	sbr.rel @p0 .LBB2_2-.Ltmp0, $4  }
0x1d: {  	_ = 	snop  }
0x1e: {  	s18 =	sshra.s32 s17, $0x2  }
0x1f: {  	[tilespmem:s18+$0x3000] =	vst v0  }
0x20: {  	s17 =	sadd.s32 $0x40, s17;
	[tilespmem:s18+$0x7000] =	vst v0  }
0x21: {  	s17 =	simm.s32 $0x0;
	s18 =	smov.u32 s8;
	s19 =	smov.u32 s7  }
.LBB2_4:
0x22: {  	s20 =	sshra.s32 s17, $0x2  }
0x23: {  	v1 =	vld [tilespmem:s20+$0x0];
	_ =	sdelay $0x2  }
0x24: {  	v2 =	vld [tilespmem:s20+$0x1000];
	_ =	sdelay $0x4  }
0x25: {  	[tilespmem:v1+s12+$0x0] =	vst.idx.msk $0xffff, v2  }
0x26: {  	v2 =	vld [tilespmem:s20+$0x2000];
	_ =	sdelay $0x4  }
0x27: {  	[tilespmem:v1+s13+$0x0] =	vst.idx.msk $0xffff, v2  }
0x28: {  	v1 =	vld [tilespmem:s20+$0x10];
	_ =	sdelay $0x2  }
0x29: {  	v2 =	vld [tilespmem:s20+$0x1010];
	_ =	sdelay $0x4  }
0x2a: {  	[tilespmem:v1+s12+$0x0] =	vst.idx.msk $0xffff, v2  }
0x2b: {  	v2 =	vld [tilespmem:s20+$0x2010];
	_ =	sdelay $0x4  }
0x2c: {  	[tilespmem:v1+s13+$0x0] =	vst.idx.msk $0xffff, v2  }
0x2d: {  	v1 =	vld [tilespmem:s20+$0x20];
	_ =	sdelay $0x4  }
0x2e: {  	v2 =	vld [tilespmem:s20+$0x1020];
	v1 =	vadd.s32 $0x800, v1;
	_ =	sdelay $0x4  }
0x2f: {  	[tilespmem:v1+s12+$0x0] =	vst.idx.msk $0xffff, v2  }
0x30: {  	v2 =	vld [tilespmem:s20+$0x2020];
	_ =	sdelay $0x4  }
0x31: {  	[tilespmem:v1+s13+$0x0] =	vst.idx.msk $0xffff, v2  }
0x32: {  	v1 =	vld [tilespmem:s20+$0x30];
	_ =	sdelay $0x4  }
0x33: {  	v2 =	vld [tilespmem:s20+$0x1030];
	v1 =	vadd.s32 $0x800, v1;
	_ =	sdelay $0x4  }
0x34: {  	[tilespmem:v1+s12+$0x0] =	vst.idx.msk $0xffff, v2  }
0x35: {  	v2 =	vld [tilespmem:s20+$0x2030];
	_ =	sdelay $0x4  }
0x36: {  	[tilespmem:v1+s13+$0x0] =	vst.idx.msk $0xffff, v2  }
0x37: {  	v1 =	vld [tilespmem:s20+$0x40];
	_ =	sdelay $0x4  }
0x38: {  	v2 =	vld [tilespmem:s20+$0x1040];
	v1 =	vadd.s32 $0x1000, v1;
	_ =	sdelay $0x4  }
0x39: {  	[tilespmem:v1+s12+$0x0] =	vst.idx.msk $0xffff, v2  }
0x3a: {  	v2 =	vld [tilespmem:s20+$0x2040];
	_ =	sdelay $0x4  }
0x3b: {  	[tilespmem:v1+s13+$0x0] =	vst.idx.msk $0xffff, v2  }
0x3c: {  	v1 =	vld [tilespmem:s20+$0x50];
	_ =	sdelay $0x4  }
0x3d: {  	v2 =	vld [tilespmem:s20+$0x1050];
	v1 =	vadd.s32 $0x1000, v1;
	_ =	sdelay $0x4  }
0x3e: {  	[tilespmem:v1+s12+$0x0] =	vst.idx.msk $0xffff, v2  }
0x3f: {  	v2 =	vld [tilespmem:s20+$0x2050];
	_ =	sdelay $0x4  }
0x40: {  	[tilespmem:v1+s13+$0x0] =	vst.idx.msk $0xffff, v2  }
0x41: {  	v1 =	vld [tilespmem:s20+$0x60];
	_ =	sdelay $0x4  }
0x42: {  	v2 =	vld [tilespmem:s20+$0x1060];
	v1 =	vadd.s32 $0x1800, v1;
	_ =	sdelay $0x4  }
0x43: {  	[tilespmem:v1+s12+$0x0] =	vst.idx.msk $0xffff, v2  }
0x44: {  	v2 =	vld [tilespmem:s20+$0x2060];
	_ =	sdelay $0x4  }
0x45: {  	[tilespmem:v1+s13+$0x0] =	vst.idx.msk $0xffff, v2  }
0x46: {  	v1 =	vld [tilespmem:s20+$0x70];
	_ =	sdelay $0x4  }
0x47: {  	v2 =	vld [tilespmem:s20+$0x1070];
	v1 =	vadd.s32 $0x1800, v1;
	_ =	sdelay $0x4  }
0x48: {  	[tilespmem:v1+s12+$0x0] =	vst.idx.msk $0xffff, v2  }
0x49: {  	v2 =	vld [tilespmem:s20+$0x2070];
	_ =	sdelay $0x4  }
0x4a: {  	[tilespmem:v1+s13+$0x0] =	vst.idx.msk $0xffff, v2  }
0x4b: {  	v1 =	vld [tilespmem:s20+$0x80];
	_ =	sdelay $0x4  }
0x4c: {  	v2 =	vld [tilespmem:s20+$0x1080];
	v1 =	vadd.s32 $0x2000, v1;
	_ =	sdelay $0x4  }
0x4d: {  	[tilespmem:v1+s12+$0x0] =	vst.idx.msk $0xffff, v2  }
0x4e: {  	v2 =	vld [tilespmem:s20+$0x2080];
	_ =	sdelay $0x4  }
0x4f: {  	[tilespmem:v1+s13+$0x0] =	vst.idx.msk $0xffff, v2  }
0x50: {  	v1 =	vld [tilespmem:s20+$0x90];
	_ =	sdelay $0x4  }
0x51: {  	v2 =	vld [tilespmem:s20+$0x1090];
	v1 =	vadd.s32 $0x2000, v1;
	_ =	sdelay $0x4  }
0x52: {  	[tilespmem:v1+s12+$0x0] =	vst.idx.msk $0xffff, v2  }
0x53: {  	v2 =	vld [tilespmem:s20+$0x2090];
	_ =	sdelay $0x4  }
0x54: {  	[tilespmem:v1+s13+$0x0] =	vst.idx.msk $0xffff, v2  }
0x55: {  	v1 =	vld [tilespmem:s20+$0xA0];
	_ =	sdelay $0x4  }
0x56: {  	v2 =	vld [tilespmem:s20+$0x10A0];
	v1 =	vadd.s32 $0x2800, v1;
	_ =	sdelay $0x4  }
0x57: {  	[tilespmem:v1+s12+$0x0] =	vst.idx.msk $0xffff, v2  }
0x58: {  	v2 =	vld [tilespmem:s20+$0x20A0];
	_ =	sdelay $0x4  }
0x59: {  	[tilespmem:v1+s13+$0x0] =	vst.idx.msk $0xffff, v2  }
0x5a: {  	v1 =	vld [tilespmem:s20+$0xB0];
	_ =	sdelay $0x4  }
0x5b: {  	v2 =	vld [tilespmem:s20+$0x10B0];
	v1 =	vadd.s32 $0x2800, v1;
	_ =	sdelay $0x4  }
0x5c: {  	[tilespmem:v1+s12+$0x0] =	vst.idx.msk $0xffff, v2  }
0x5d: {  	v2 =	vld [tilespmem:s20+$0x20B0];
	_ =	sdelay $0x4  }
0x5e: {  	[tilespmem:v1+s13+$0x0] =	vst.idx.msk $0xffff, v2  }
0x5f: {  	v1 =	vld [tilespmem:s20+$0xC0];
	_ =	sdelay $0x4  }
0x60: {  	v2 =	vld [tilespmem:s20+$0x10C0];
	v1 =	vadd.s32 $0x3000, v1;
	_ =	sdelay $0x4  }
0x61: {  	[tilespmem:v1+s12+$0x0] =	vst.idx.msk $0xffff, v2  }
0x62: {  	v2 =	vld [tilespmem:s20+$0x20C0];
	_ =	sdelay $0x4  }
0x63: {  	[tilespmem:v1+s13+$0x0] =	vst.idx.msk $0xffff, v2  }
0x64: {  	v1 =	vld [tilespmem:s20+$0xD0];
	_ =	sdelay $0x4  }
0x65: {  	v2 =	vld [tilespmem:s20+$0x10D0];
	v1 =	vadd.s32 $0x3000, v1;
	_ =	sdelay $0x4  }
0x66: {  	[tilespmem:v1+s12+$0x0] =	vst.idx.msk $0xffff, v2  }
0x67: {  	v2 =	vld [tilespmem:s20+$0x20D0];
	_ =	sdelay $0x4  }
0x68: {  	[tilespmem:v1+s13+$0x0] =	vst.idx.msk $0xffff, v2  }
0x69: {  	v1 =	vld [tilespmem:s20+$0xE0];
	_ =	sdelay $0x4  }
0x6a: {  	v2 =	vld [tilespmem:s20+$0x10E0];
	v1 =	vadd.s32 $0x3800, v1;
	_ =	sdelay $0x4  }
0x6b: {  	[tilespmem:v1+s12+$0x0] =	vst.idx.msk $0xffff, v2  }
0x6c: {  	v2 =	vld [tilespmem:s20+$0x20E0];
	_ =	sdelay $0x4  }
0x6d: {  	[tilespmem:v1+s13+$0x0] =	vst.idx.msk $0xffff, v2  }
0x6e: {  	v1 =	vld [tilespmem:s20+$0xF0];
	_ =	sdelay $0x4  }
0x6f: {  	v2 =	vld [tilespmem:s20+$0x10F0];
	v1 =	vadd.s32 $0x3800, v1;
	_ =	sdelay $0x4  }
0x70: {  	[tilespmem:v1+s12+$0x0] =	vst.idx.msk $0xffff, v2  }
0x71: {  	v2 =	vld [tilespmem:s20+$0x20F0];
	_ =	sdelay $0x4  }
0x72: {  	[tilespmem:v1+s13+$0x0] =	vst.idx.msk $0xffff, v2  }
0x73: {  	[hbm4b:s18+s2] =	stream.linear.scatter [tilespmem:s12], [sflag:$0x1], $0x4000, $0x38;
	[tilespmem:$0xB000] =	vst v63  }
0x74: {  	_ = 	snop  }
0x75: {  	[hbm4b:s19+s2] =	stream.linear.scatter [tilespmem:s13], [sflag:$0x2], $0x4000, $0x38;
	[tilespmem:$0xB000] =	vst v63  }
0x76: {  	_ =	swait.ge [sflag:s14], $0x4000  }
0x77: {  	[sflag:s14] =	ssyncset.done $0x0  }
0x78: {  	[sflag:s14] =	ssyncadd.s32 $0xFFFFC000  }
0x79: {  	_ =	swait.ge [sflag:s15], $0x4000  }
0x7a: {  	[sflag:s15] =	ssyncset.done $0x0  }
0x7b: {  	[sflag:s15] =	ssyncadd.s32 $0xFFFFC000  }
0x7c: {  	v1 =	vld [tilespmem:s20+$0x0];
	_ =	sdelay $0x7  }
0x7d: {  	[tilespmem:v1+s12+$0x0] =	vst.idx.msk $0xffff, v0  }
0x7e: {  	[tilespmem:v1+s13+$0x0] =	vst.idx.msk $0xffff, v0  }
0x7f: {  	v1 =	vld [tilespmem:s20+$0x10];
	_ =	sdelay $0x7  }
0x80: {  	[tilespmem:v1+s12+$0x0] =	vst.idx.msk $0xffff, v0  }
0x81: {  	[tilespmem:v1+s13+$0x0] =	vst.idx.msk $0xffff, v0  }
0x82: {  	v1 =	vld [tilespmem:s20+$0x20];
	_ =	sdelay $0x4  }
0x83: {  	v1 =	vadd.s32 $0x800, v1;
	_ =	sdelay $0x4  }
0x84: {  	[tilespmem:v1+s12+$0x0] =	vst.idx.msk $0xffff, v0  }
0x85: {  	[tilespmem:v1+s13+$0x0] =	vst.idx.msk $0xffff, v0  }
0x86: {  	v1 =	vld [tilespmem:s20+$0x30];
	_ =	sdelay $0x4  }
0x87: {  	v1 =	vadd.s32 $0x800, v1;
	_ =	sdelay $0x4  }
0x88: {  	[tilespmem:v1+s12+$0x0] =	vst.idx.msk $0xffff, v0  }
0x89: {  	[tilespmem:v1+s13+$0x0] =	vst.idx.msk $0xffff, v0  }
0x8a: {  	v1 =	vld [tilespmem:s20+$0x40];
	_ =	sdelay $0x4  }
0x8b: {  	v1 =	vadd.s32 $0x1000, v1;
	_ =	sdelay $0x4  }
0x8c: {  	[tilespmem:v1+s12+$0x0] =	vst.idx.msk $0xffff, v0  }
0x8d: {  	[tilespmem:v1+s13+$0x0] =	vst.idx.msk $0xffff, v0  }
0x8e: {  	v1 =	vld [tilespmem:s20+$0x50];
	_ =	sdelay $0x4  }
0x8f: {  	v1 =	vadd.s32 $0x1000, v1;
	_ =	sdelay $0x4  }
0x90: {  	[tilespmem:v1+s12+$0x0] =	vst.idx.msk $0xffff, v0  }
0x91: {  	[tilespmem:v1+s13+$0x0] =	vst.idx.msk $0xffff, v0  }
0x92: {  	v1 =	vld [tilespmem:s20+$0x60];
	_ =	sdelay $0x4  }
0x93: {  	v1 =	vadd.s32 $0x1800, v1;
	_ =	sdelay $0x4  }
0x94: {  	[tilespmem:v1+s12+$0x0] =	vst.idx.msk $0xffff, v0  }
0x95: {  	[tilespmem:v1+s13+$0x0] =	vst.idx.msk $0xffff, v0  }
0x96: {  	v1 =	vld [tilespmem:s20+$0x70];
	_ =	sdelay $0x4  }
0x97: {  	v1 =	vadd.s32 $0x1800, v1;
	_ =	sdelay $0x4  }
0x98: {  	[tilespmem:v1+s12+$0x0] =	vst.idx.msk $0xffff, v0  }
0x99: {  	[tilespmem:v1+s13+$0x0] =	vst.idx.msk $0xffff, v0  }
0x9a: {  	v1 =	vld [tilespmem:s20+$0x80];
	_ =	sdelay $0x4  }
0x9b: {  	v1 =	vadd.s32 $0x2000, v1;
	_ =	sdelay $0x4  }
0x9c: {  	[tilespmem:v1+s12+$0x0] =	vst.idx.msk $0xffff, v0  }
0x9d: {  	[tilespmem:v1+s13+$0x0] =	vst.idx.msk $0xffff, v0  }
0x9e: {  	v1 =	vld [tilespmem:s20+$0x90];
	_ =	sdelay $0x4  }
0x9f: {  	v1 =	vadd.s32 $0x2000, v1;
	_ =	sdelay $0x4  }
0xa0: {  	[tilespmem:v1+s12+$0x0] =	vst.idx.msk $0xffff, v0  }
0xa1: {  	[tilespmem:v1+s13+$0x0] =	vst.idx.msk $0xffff, v0  }
0xa2: {  	v1 =	vld [tilespmem:s20+$0xA0];
	_ =	sdelay $0x4  }
0xa3: {  	v1 =	vadd.s32 $0x2800, v1;
	_ =	sdelay $0x4  }
0xa4: {  	[tilespmem:v1+s12+$0x0] =	vst.idx.msk $0xffff, v0  }
0xa5: {  	[tilespmem:v1+s13+$0x0] =	vst.idx.msk $0xffff, v0  }
0xa6: {  	v1 =	vld [tilespmem:s20+$0xB0];
	_ =	sdelay $0x4  }
0xa7: {  	v1 =	vadd.s32 $0x2800, v1;
	_ =	sdelay $0x4  }
0xa8: {  	[tilespmem:v1+s12+$0x0] =	vst.idx.msk $0xffff, v0  }
0xa9: {  	[tilespmem:v1+s13+$0x0] =	vst.idx.msk $0xffff, v0  }
0xaa: {  	v1 =	vld [tilespmem:s20+$0xC0];
	_ =	sdelay $0x4  }
0xab: {  	v1 =	vadd.s32 $0x3000, v1;
	_ =	sdelay $0x4  }
0xac: {  	[tilespmem:v1+s12+$0x0] =	vst.idx.msk $0xffff, v0  }
0xad: {  	[tilespmem:v1+s13+$0x0] =	vst.idx.msk $0xffff, v0  }
0xae: {  	v1 =	vld [tilespmem:s20+$0xD0];
	_ =	sdelay $0x4  }
0xaf: {  	v1 =	vadd.s32 $0x3000, v1;
	_ =	sdelay $0x4  }
0xb0: {  	[tilespmem:v1+s12+$0x0] =	vst.idx.msk $0xffff, v0  }
0xb1: {  	[tilespmem:v1+s13+$0x0] =	vst.idx.msk $0xffff, v0  }
0xb2: {  	v1 =	vld [tilespmem:s20+$0xE0];
	_ =	sdelay $0x4  }
0xb3: {  	v1 =	vadd.s32 $0x3800, v1;
	_ =	sdelay $0x4  }
0xb4: {  	[tilespmem:v1+s12+$0x0] =	vst.idx.msk $0xffff, v0  }
0xb5: {  	[tilespmem:v1+s13+$0x0] =	vst.idx.msk $0xffff, v0  }
0xb6: {  	v1 =	vld [tilespmem:s20+$0xF0];
	_ =	sdelay $0x4  }
0xb7: {  	v1 =	vadd.s32 $0x3800, v1  }
0xb8: {  	p0 =	sne.s32 s17, $0x3C00  }
.Ltmp1:
0xb9: {  	_ = 	snop;
	(pc) =	sbr.rel @p0 .LBB2_4-.Ltmp1, $3  }
0xba: {  	_ =	sdelay $0x1  }
0xbb: {  	[tilespmem:v1+s12+$0x0] =	vst.idx.msk $0xffff, v0  }
0xbc: {  	s17 =	sadd.s32 $0x400, s17;
	s18 =	sadd.s32 $0x800, s18;
	s19 =	sadd.s32 $0x800, s19;
	[tilespmem:v1+s13+$0x0] =	vst.idx.msk $0xffff, v0  }
0xbd: {  	s16 =	sadd.s32 $0x1, s16  }
0xbe: {  	p0 =	sne.s32 s16, s6  }
.Ltmp2:
0xbf: {  	_ = 	snop;
	(pc) =	sbr.rel @p0 .LBB2_1-.Ltmp2, $1  }
0xc0: {  	_ =	sdelay $0x3  }
0xc1: {  	_ =	sfence.sel $0x180000  }
0xc2: {  	[bflag:$0x0] =	sbarrier.arrive $0xFFFF  }
0xc3: {  	p0 =	sne.s32 s1, $0x0;
	_ =	strace $0x9000004A  }
0xc4: {  	s0 =	sadd.s32 @!p0 $0x100000, s0;
	[bflag:$0x2] =	sbarrier.arrive $0xFFFF  }
0xc5: {  	[sflag:s0] =	ssyncadd.tile.s32 @!p0 $0x1;
	_ =	shalt  }
.Lfunc_end2:
_tile_overlayer_lowered:
.L_overlay_start_2:
0xc6: {  	(tag) =	ssettag $0x2  }
0xc7: {  	s0 =	rddreg [dreg:$0x0];
	s2 =	stileid.u32  }
0xc8: {  	s1 =	rddreg [dreg:$0x1];
	p0 =	sne.s32 s2, $0x0  }
0xc9: {  	s3 =	rddreg [dreg:$0x2];
	[bflag:$0x3] =	sbarrier.arrive $0xFFFF;
	s2 =	simm.s32 @!p0 $0x1C03  }
0xca: {  	[timem:s3], [sflag:s2] =	dma.local @!p0 [hbm:s0], s1  }
0xcb: {  	s0 =	simm.s32 @!p0 $0x3  }
0xcc: {  	_ =	swait.ge @!p0 [sflag:s0], s1  }
0xcd: {  	s1 =	ssub.s32 @!p0 $0x0, s1;
	[sflag:s0] =	ssyncset.done @!p0 $0x0  }
0xce: {  	[sflag:s0] =	ssyncadd.s32 @!p0 s1  }
0xcf: {  	[bflag:$0x3] =	sbarrier.arrive $0xFFFF  }
0xd0: {  	_ =	shalt  }

// kernel: kernel.9.cloned.1.call-start
scs
__scs_entry_jumppad:
0x0: {  	(pc) =	sbr.rel $0x88, $3  }
0x1: {  	(tag) =	ssettag $0x0;
	lr =	simm.s32 $0x1  }
0x2: {  	[smem:$0x3F91] =	sst lr;
	_ =	strace $0xD0000000  }
0x3: {  	_ = 	snop  }
0x4: {  	_ = 	snop  }
0x5: {  	_ = 	snop  }
0x6: {  	_ = 	snop  }
0x7: {  	_ = 	snop  }
__scs_overlays_trampoline_lowered:
0x8: {  	[smem:$0x3FA0] =	sst s0  }
0x9: {  	[smem:$0x3FA1] =	sst s1  }
0xa: {  	[smem:$0x3FA2] =	sst s2  }
0xb: {  	[smem:$0x3FA3] =	sst s3  }
0xc: {  	[smem:$0x3FA4] =	sst s4  }
0xd: {  	[smem:$0x3FA5] =	sst s5  }
0xe: {  	[smem:$0x3FA6] =	sst s6  }
0xf: {  	[smem:$0x3FA7] =	sst s7  }
0x10: {  	[smem:$0x3FA8] =	sst s8  }
0x11: {  	[smem:$0x3FA9] =	sst s9;
	s0 =	simm.s32 @!p0 $0x0  }
0x12: {  	s1 =	sld [smem:$0x3F8F];
	s0 =	simm.s32 @p0 $0x1  }
0x13: {  	[smem:$0x3FAA] =	sst s0;
	s0 =	simm.s32 @!p1 $0x0  }
0x14: {  	s2 =	sld [smem:$0x3F8E];
	s0 =	simm.s32 @p1 $0x1  }
0x15: {  	[smem:$0x3FAB] =	sst s0;
	s0 =	simm.s32 @!p2 $0x0  }
0x16: {  	s3 =	sld [smem:$0x3FDB];
	s0 =	simm.s32 @p2 $0x1  }
0x17: {  	s4 =	simm.s32 $0x1BF5;
	[smem:$0x3FAD] =	sst s0  }
0x18: {  	s0 =	sld [smem:$0x3F90];
	_ =	swait.ge [sflag:s4], $0x0  }
0x19: {  	s7 =	sld [smem:$0x3F91]  }
0x1a: {  	s8 =	sadd.s32 $0xFFFFE003, lr  }
0x1b: {  	s9 =	sadd.s32 $0xFFFFFEF7, lr;
	s5 =	simm.s32 $0xFFFFFFFF;
	p2 =	slt.u32 s8, $0xFFFFF086  }
0x1c: {  	p1 =	slt.u32 s9, $0xF7A;
	s5 =	simm.s32 @!p2 $0x0  }
0x1d: {  	s5 =	simm.s32 @p1 $0x1;
	p0 =	seq.s32 s7, s2  }
0x1e: {  	s7 =	smul.u32 @!p0 $0xF7A, s2;
	p2 =	seq.s32 @!p0 s5, $0x0  }
0x1f: {  	s9 =	smul.u32 $0xF7A, s1;
	s8 =	simm.s32 @!p0 $0x1BF5;
	p2 =	por !p2, p0  }
0x20: {  	[sflag:s8] =	ssyncset.s32 @!p0 $0xFFFFF086;
	s6 =	sadd.s32 @!p0 s3, s7;
	s7 =	simm.s32 @!p0 $0x108  }
0x21: {  	s3 =	sadd.s32 s3, s9;
	s6 =	sadd.s32 @!p0 $0x88, s6;
	s7 =	simm.s32 @p2 $0x1082  }
0x22: {  	[simem:s7], [sflag:s8] =	dma.local @!p0 [hbm:s6], $0xF7A  }
0x23: {  	s9 =	sor.u32 $0xD0000000, s2;
	s6 =	simm.s32 $0x108;
	_ =	swait.ge @!p0 [sflag:s8], $0x0  }
0x24: {  	s3 =	sadd.s32 $0x88, s3;
	s6 =	simm.s32 @!p1 $0x1082;
	[sflag:s4] =	ssyncset.s32 $0xFFFFF086  }
0x25: {  	[simem:s6], [sflag:s4] =	dma.local [hbm:s3], $0xF7A  }
0x26: {  	[smem:$0x3F91] =	sst s1;
	(tag) =	ssettag s2;
	_ =	strace s9  }
0x27: {  	s1 =	sld [smem:$0x3FA1]  }
0x28: {  	s2 =	sld [smem:$0x3FA2]  }
0x29: {  	s4 =	sld [smem:$0x3FA4]  }
0x2a: {  	p0 =	seq.s32 s5, $0x0;
	s5 =	sld [smem:$0x3FA5]  }
0x2b: {  	s6 =	sld [smem:$0x3FA6]  }
0x2c: {  	s7 =	sld [smem:$0x3FA7]  }
0x2d: {  	s3 =	simm.s32 $0x108;
	s8 =	sld [smem:$0x3FA8]  }
0x2e: {  	s3 =	simm.s32 @!p0 $0x1082;
	s9 =	sld [smem:$0x3FA9]  }
0x2f: {  	lr =	sadd.s32 s0, s3;
	s0 =	sld [smem:$0x3FA0]  }
0x30: {  	s3 =	sld [smem:$0x3FA3]  }
0x31: {  	[smem:$0x3FAC] =	sst s10  }
0x32: {  	s10 =	sld [smem:$0x3FAA];
	_ =	sdelay $0x3  }
0x33: {  	p0 =	seq.s32 s10, $0x1;
	s10 =	sld [smem:$0x3FAC];
	_ =	sdelay $0x3  }
0x34: {  	[smem:$0x3FAC] =	sst s10  }
0x35: {  	s10 =	sld [smem:$0x3FAB];
	_ =	sdelay $0x3  }
0x36: {  	p1 =	seq.s32 s10, $0x1;
	s10 =	sld [smem:$0x3FAC];
	_ =	sdelay $0x3  }
0x37: {  	[smem:$0x3FAC] =	sst s10  }
0x38: {  	s10 =	sld [smem:$0x3FAD]  }
0x39: {  	_ = 	snop;
	(pc) =	sbr.ind lr, $3  }
0x3a: {  	_ = 	snop  }
0x3b: {  	_ = 	snop  }
0x3c: {  	p2 =	seq.s32 s10, $0x1;
	s10 =	sld [smem:$0x3FAC]  }
0x3d: {  	_ =	shalt  }
0x3e: {  	_ =	shalt  }
0x3f: {  	_ =	shalt  }
0x40: {  	_ =	shalt  }
0x41: {  	_ =	shalt  }
0x42: {  	_ =	shalt  }
0x43: {  	_ =	shalt  }
0x44: {  	_ =	shalt  }
0x45: {  	_ =	shalt  }
0x46: {  	_ =	shalt  }
0x47: {  	_ =	shalt  }
0x48: {  	_ =	shalt  }
0x49: {  	_ =	shalt  }
0x4a: {  	_ =	shalt  }
0x4b: {  	_ =	shalt  }
0x4c: {  	_ =	shalt  }
0x4d: {  	_ =	shalt  }
0x4e: {  	_ =	shalt  }
0x4f: {  	_ =	shalt  }
0x50: {  	_ =	shalt  }
0x51: {  	_ =	shalt  }
0x52: {  	_ =	shalt  }
0x53: {  	_ =	shalt  }
0x54: {  	_ =	shalt  }
0x55: {  	_ =	shalt  }
0x56: {  	_ =	shalt  }
0x57: {  	_ =	shalt  }
0x58: {  	_ =	shalt  }
0x59: {  	_ =	shalt  }
0x5a: {  	_ =	shalt  }
0x5b: {  	_ =	shalt  }
0x5c: {  	_ =	shalt  }
0x5d: {  	_ =	shalt  }
0x5e: {  	_ =	shalt  }
0x5f: {  	_ =	shalt  }
0x60: {  	_ =	shalt  }
0x61: {  	_ =	shalt  }
0x62: {  	_ =	shalt  }
0x63: {  	_ =	shalt  }
0x64: {  	_ =	shalt  }
0x65: {  	_ =	shalt  }
0x66: {  	_ =	shalt  }
0x67: {  	_ =	shalt  }
0x68: {  	_ =	shalt  }
0x69: {  	_ =	shalt  }
0x6a: {  	_ =	shalt  }
0x6b: {  	_ =	shalt  }
0x6c: {  	_ =	shalt  }
0x6d: {  	_ =	shalt  }
0x6e: {  	_ =	shalt  }
0x6f: {  	_ =	shalt  }
0x70: {  	_ =	shalt  }
0x71: {  	_ =	shalt  }
0x72: {  	_ =	shalt  }
0x73: {  	_ =	shalt  }
0x74: {  	_ =	shalt  }
0x75: {  	_ =	shalt  }
0x76: {  	_ =	shalt  }
0x77: {  	_ =	shalt  }
0x78: {  	_ =	shalt  }
0x79: {  	_ =	shalt  }
0x7a: {  	_ =	shalt  }
0x7b: {  	_ =	shalt  }
0x7c: {  	_ =	shalt  }
0x7d: {  	_ =	shalt  }
0x7e: {  	_ =	shalt  }
0x7f: {  	_ =	shalt  }
0x80: {  	_ =	shalt  }
0x81: {  	_ =	shalt  }
0x82: {  	_ =	shalt  }
0x83: {  	_ =	shalt  }
0x84: {  	_ =	shalt  }
0x85: {  	_ =	shalt  }
0x86: {  	_ =	shalt  }
0x87: {  	_ =	shalt  }
.Lfunc_end0:
.L_simem_size_0:
called_computation_lowered:
.L_overlay_start_0:
0x88: {  	s2 =	sld [smem:$0x3FD9]  }
0x89: {  	s3 =	sld [smem:$0x3FFE];
	_ =	sdelay $0x1  }
0x8a: {  	s1 =	srdreg.scid  }
0x8b: {  	s0 =	sand.u32 $0x1, s1  }
0x8c: {  	s14 =	sshll.u32 s0, $0xA;
	s2 =	sadd.s32 s3, s2  }
0x8d: {  	s2 =	sadd.s32 s2, s14  }
0x8e: {  	[smem:$0x3FB8] =	sst s2  }
0x8f: {  	_ = 	snop  }
0x90: {  	s2 =	sld [smem:$0x3FD0];
	_ =	sdelay $0x2  }
0x91: {  	s15 =	simm.s32 $0xA;
	s4 =	simm.s32 $0x10  }
0x92: {  	[smem:s4], [sflag:s15] =	dma.local [hbm:s2], $0x1  }
0x93: {  	_ =	swait.eq [sflag:s15], $0x1  }
0x94: {  	[sflag:s15] =	ssyncset.done $0x0  }
0x95: {  	[sflag:s15] =	ssyncadd.s32 $0xFFFFFFFF  }
0x96: {  	s16 =	sld [smem:$0x11];
	(tm) =	ssettm $0x1  }
0x97: {  	s17 =	sld [smem:$0x3FFB];
	_ =	sdelay $0x3  }
0x98: {  	_ =	strace s17  }
0x99: {  	s3 =	sld [smem:$0x3FFC];
	_ =	sdelay $0x3  }
0x9a: {  	_ =	strace s3  }
0x9b: {  	s3 =	sld [smem:$0x3FFD];
	_ =	sdelay $0x3  }
0x9c: {  	_ =	strace s3  }
0x9d: {  	_ =	strace $0x8FFFFFFF  }
0x9e: {  	s18 =	sld [smem:$0x3FDB];
	_ =	sdelay $0x1  }
0x9f: {  	s19 =	simm.s32 $_scs_section_size  }
0xa0: {  	s5 =	simm.s32 $_size__tile_overlayer_lowered;
	s6 =	simm.s32 $_tile_overlayer_lowered  }
0xa1: {  	s22 =	simm.s32 $0x1BFF;
	s21 =	sshll.u32 s6, $0x1;
	s3 =	sadd.s32 s19, s18  }
0xa2: {  	s7 =	simm.s32 $0x0;
	s20 =	sshll.u32 s5, $0x1;
	s5 =	sadd.s32 s21, s3  }
0xa3: {  	[timem:s7], [sflag:s22] =	dma.local [hbm:s5], s20  }
0xa4: {  	_ =	swait.ge [sflag:s22], s20  }
0xa5: {  	s4 =	ssub.s32 $0x0, s20;
	[sflag:s22] =	ssyncset.done $0x0  }
0xa6: {  	[sflag:s22] =	ssyncadd.s32 s4;
	_ =	sdelay $0x1  }
0xa7: {  	s23 =	simm.s32 $0x1B8B  }
0xa8: {  	_ =	swait.ge [sflag:s23], $0x1  }
0xa9: {  	[sflag:s23] =	ssyncset.done $0x0  }
0xaa: {  	s25 =	simm.s32 $0x1B8E;
	s24 =	sld [smem:$0x3FFE];
	[sflag:s23] =	ssyncadd.s32 $0xFFFFFFFF  }
0xab: {  	s26 =	simm.s32 $execute0_lowered;
	[smem:$0x3FD2] =	sst s25  }
0xac: {  	s5 =	sshll.u32 s26, $0x1;
	_ =	strace $0x80000046;
	[dreg:$0x1] =	wrdreg $0xFFFFFFFF  }
0xad: {  	s28 =	simm.s32 $_size_execute0_lowered;
	s3 =	sadd.s32 s3, s5;
	[dreg:$0x0] =	wrdreg $0x0  }
0xae: {  	s5 =	sshll.u32 s28, $0x1;
	[dreg:$0x2] =	wrdreg s3  }
0xaf: {  	[dreg:$0x3] =	wrdreg s5  }
0xb0: {  	[dreg:$0x4] =	wrdreg $0xC0  }
0xb1: {  	_ =	task [dreg:s7], $0x5FFFF  }
0xb2: {  	[dreg:$0x1] =	wrdreg $0xFFFFFFFF  }
0xb3: {  	[dreg:$0x0] =	wrdreg $0x60  }
0xb4: {  	[dreg:$0x2] =	wrdreg s16  }
0xb5: {  	[dreg:$0x3] =	wrdreg s24  }
0xb6: {  	[dreg:$0x4] =	wrdreg $0x9  }
0xb7: {  	_ =	task.clear_ibuf [dreg:s7], $0x5FFFF;
	_ =	strace $0x90000046  }
0xb8: {  	s29 =	simm.s32 $0x9;
	_ =	strace $0x80000048  }
0xb9: {  	_ =	swait.ge [sflag:s29], $0x1  }
0xba: {  	[sflag:s29] =	ssyncadd.s32 $0xFFFFFFFF  }
0xbb: {  	_ =	strace $0x90000048  }
0xbc: {  	_ =	sfence  }
0xbd: {  	s30 =	sld [smem:$0x0];
	_ =	sdelay $0x2  }
0xbe: {  	s31 =	sshll.u32 s1, $0xD;
	s1 =	sshrl.u32 s1, $0x2  }
0xbf: {  	s3 =	sand.u32 $0x4000, s31;
	s1 =	sadd.s32 s1, s30  }
0xc0: {  	s0 =	sor.u32 s3, s0;
	s1 =	sshll.u32 s1, $0x11  }
0xc1: {  	s0 =	sor.u32 s1, s0  }
0xc2: {  	s0 =	sadd.s32 $0x8F2B, s0  }
0xc3: {  	[sflag:s0] =	ssyncadd.remote.s32 $0x1  }
0xc4: {  	_ =	sfence.sel $0xFFFF  }
0xc5: {  	[dreg:$0x0] =	wrdreg $0xFFFFFFFF;
	(pc) =	sbr.abs _section_cstart, $3  }
0xc6: {  	[dreg:$0x1] =	wrdreg $0xFFFFFFFF  }
0xc7: {  	_ =	task.clear_ibuf [dreg:s7], $0x2FFFF;
	_ =	strace $0x9FFFFFFF  }
0xc8: {  	(tm) =	ssettm $0x7FFFFFFF  }
0xc9: {  	_ =	shalt  }
tec
execute0_lowered:
.L_overlay_start_1:
0x0: {  	(tag) =	ssettag $0x1  }
0x1: {  	s2 =	rddreg [dreg:$0x0]  }
0x2: {  	s0 =	rddreg [dreg:$0x1]  }
0x3: {  	s1 =	srdreg.scid;
	s4 =	stileid.u32;
	s3 =	simm.s32 $0x0  }
0x4: {  	s9 =	simm.s32 $0x3;
	s10 =	simm.s32 $0x1000;
	s18 =	simm.s32 $0xD000  }
0x5: {  	s11 =	simm.s32 $0x13800;
	s12 =	simm.s32 $0x13C00;
	s13 =	simm.s32 $0x14400  }
0x6: {  	s14 =	simm.s32 $0x14800;
	s15 =	simm.s32 $0x15000;
	s16 =	simm.s32 $0x15400  }
0x7: {  	s17 =	simm.s32 $0x15C00;
	s19 =	simm.s32 $0x16000;
	s20 =	simm.s32 $0x16800  }
0x8: {  	s21 =	simm.s32 $0x16C00;
	s22 =	simm.s32 $0x17400;
	s23 =	simm.s32 $0x17800  }
0x9: {  	s24 =	simm.s32 $0x18000;
	s25 =	simm.s32 $0x18400;
	s26 =	simm.s32 $0x18C00  }
0xa: {  	s28 =	simm.s32 $0x1;
	s29 =	simm.s32 $0x2;
	s1 =	sand.u32 $0x1, s1  }
0xb: {  	s30 =	simm.s32 $0x0;
	s4 =	sshll.u32 s4, $0xD;
	s5 =	sshll.u32 s1, $0xC  }
0xc: {  	[smem:$0x7FF] =	sst s3;
	s1 =	ssub.s32 $0x2, s1;
	s4 =	sor.u32 s5, s4  }
0xd: {  	_ =	strace $0x80000047;
	s7 =	sshrl.u32 s1, $0x1;
	s5 =	sshrl.u32 s4, $0x3  }
0xe: {  	s4 =	sor.u32 $0x80, s4;
	s1 =	ssub.s32 s1, s7;
	s6 =	sadd.s32 s5, s0  }
.Ltmp0:
0xf: {  	s4 =	sshrl.u32 s4, $0x3;
	s0 =	sadd.s32 $0x11400, s0;
	(pc) =	sbr.rel .LBB2_1-.Ltmp0, $4  }
0x10: {  	s31 =	smul.u32 $0x180, s5;
	s5 =	sadd.s32 $0x100, s2;
	s1 =	smax.u32 s1, $0x1  }
0x11: {  	v2 =	vlaneseq.u32;
	s4 =	smul.u32 $0x180, s4;
	s6 =	sadd.s32 $0xD400, s6;
	[dreg:$0x4] =	wrdreg s1  }
0x12: {  	vm0 =	vmmov $0xffff;
	vm1 =	vmmov $0xff;
	v1 =	vshrl.u32 v2, $0x3;
	s1 =	simm.s32 $0x12400;
	[dreg:$0x3] =	wrdreg s6;
	s8 =	sadd.s32 s31, s0  }
0x13: {  	v0 =	vand.u32 $0x7, v2;
	v2 =	vor.u32 $0x8, v2;
	v1 =	vmul.u32 $0x8, v1;
	s6 =	simm.s32 $0x13000;
	s7 =	sadd.s32 s4, s0;
	s4 =	simm.s32 $0x12C00  }
.LBB2_5:
0x14: {  	s30 =	rddreg [dreg:$0x5]  }
0x15: {  	s0 =	rddreg [dreg:$0x4];
	s30 =	sadd.s32 $0x1, s30  }
0x16: {  	p0 =	sne.s32 s30, s0  }
.Ltmp1:
0x17: {  	_ = 	snop;
	(pc) =	sbr.rel @!p0 .LBB2_6-.Ltmp1, $1  }
0x18: {  	_ =	sdelay $0x3  }
.LBB2_1:
0x19: {  	[dreg:$0x5] =	wrdreg s30  }
0x1a: {  	s0 =	rddreg [dreg:$0x3]  }
0x1b: {  	[tilespmem:s3], [sflag:$0x3] =	stream.linear.gather [hbm4b:s0+s3], $0x1000, $0x38;
	[tilespmem:$0x19000] =	vst v63  }
0x1c: {  	_ =	swait.ge [sflag:s9], $0x1000  }
0x1d: {  	[sflag:s9] =	ssyncset.done $0x0  }
0x1e: {  	[sflag:s9] =	ssyncadd.s32 $0xFFFFF000  }
0x1f: {  	v3 =	vld [tilespmem:$0x0];
	_ =	sdelay $0x4  }
0x20: {  	v4 =	vshrl.u32 v3, $0x3  }
0x21: {  	v4 =	vmul.u32 $0x18, v4  }
0x22: {  	v3 =	vand.u32 $0x7, v3  }
0x23: {  	v3 =	vor.u32 v3, v4  }
0x24: {  	v4 =	vperm.xlane v3, v0;
	_ =	sdelay $0x1  }
0x25: {  	v4 =	vadd.s32 v1, v4;
	_ =	sdelay $0x1  }
0x26: {  	v3 =	vperm.xlane v3, v2;
	_ =	sdelay $0x1  }
0x27: {  	v3 =	vadd.s32 v1, v3  }
0x28: {  	[tilespmem:s10], [sflag:$0x1] =	stream.indirect_vreg.gather [hbm4b:s2+s3], $0x80, v4, vm0, $0xb8;
	[tilespmem:$0x19000] =	vst v63  }
0x29: {  	s0 =	simm.s32 $0x1800  }
0x2a: {  	[tilespmem:s0], [sflag:$0x1] =	stream.indirect_vreg.gather [hbm4b:s5+s3], $0x80, v4, vm1, $0xb8;
	[tilespmem:$0x19000] =	vst v63  }
0x2b: {  	s0 =	simm.s32 $0x1C00  }
0x2c: {  	[tilespmem:s0], [sflag:$0x1] =	stream.indirect_vreg.gather [hbm4b:s2+s3], $0x80, v3, vm0, $0xb8;
	[tilespmem:$0x19000] =	vst v63  }
0x2d: {  	s0 =	simm.s32 $0x2400  }
0x2e: {  	[tilespmem:s0], [sflag:$0x1] =	stream.indirect_vreg.gather [hbm4b:s5+s3], $0x80, v3, vm1, $0xb8;
	[tilespmem:$0x19000] =	vst v63  }
0x2f: {  	v3 =	vld [tilespmem:$0x10];
	_ =	sdelay $0x4  }
0x30: {  	v57 =	vshrl.u32 v3, $0x3  }
0x31: {  	v4 =	vmul.u32 $0x18, v57  }
0x32: {  	v3 =	vand.u32 $0x7, v3  }
0x33: {  	v3 =	vor.u32 v3, v4  }
0x34: {  	v4 =	vperm.xlane v3, v0;
	_ =	sdelay $0x1  }
0x35: {  	v4 =	vadd.s32 v1, v4;
	_ =	sdelay $0x1  }
0x36: {  	v3 =	vperm.xlane v3, v2;
	_ =	sdelay $0x1  }
0x37: {  	s0 =	simm.s32 $0x2800;
	v3 =	vadd.s32 v1, v3  }
0x38: {  	[tilespmem:s0], [sflag:$0x1] =	stream.indirect_vreg.gather [hbm4b:s2+s3], $0x80, v4, vm0, $0xb8;
	[tilespmem:$0x19000] =	vst v63  }
0x39: {  	s0 =	simm.s32 $0x3000  }
0x3a: {  	[tilespmem:s0], [sflag:$0x1] =	stream.indirect_vreg.gather [hbm4b:s5+s3], $0x80, v4, vm1, $0xb8;
	[tilespmem:$0x19000] =	vst v63  }
0x3b: {  	s0 =	simm.s32 $0x3400  }
0x3c: {  	[tilespmem:s0], [sflag:$0x1] =	stream.indirect_vreg.gather [hbm4b:s2+s3], $0x80, v3, vm0, $0xb8;
	[tilespmem:$0x19000] =	vst v63  }
0x3d: {  	s0 =	simm.s32 $0x3C00  }
0x3e: {  	[tilespmem:s0], [sflag:$0x1] =	stream.indirect_vreg.gather [hbm4b:s5+s3], $0x80, v3, vm1, $0xb8;
	[tilespmem:$0x19000] =	vst v63  }
0x3f: {  	v3 =	vld [tilespmem:$0x20];
	_ =	sdelay $0x4  }
0x40: {  	v58 =	vshrl.u32 v3, $0x3  }
0x41: {  	v4 =	vmul.u32 $0x18, v58  }
0x42: {  	v3 =	vand.u32 $0x7, v3  }
0x43: {  	v3 =	vor.u32 v3, v4  }
0x44: {  	v4 =	vperm.xlane v3, v0;
	_ =	sdelay $0x1  }
0x45: {  	v4 =	vadd.s32 v1, v4;
	_ =	sdelay $0x1  }
0x46: {  	v3 =	vperm.xlane v3, v2;
	_ =	sdelay $0x1  }
0x47: {  	s0 =	simm.s32 $0x4000;
	v3 =	vadd.s32 v1, v3  }
0x48: {  	[tilespmem:s0], [sflag:$0x1] =	stream.indirect_vreg.gather [hbm4b:s2+s3], $0x80, v4, vm0, $0xb8;
	[tilespmem:$0x19000] =	vst v63  }
0x49: {  	s0 =	simm.s32 $0x4800  }
0x4a: {  	[tilespmem:s0], [sflag:$0x1] =	stream.indirect_vreg.gather [hbm4b:s5+s3], $0x80, v4, vm1, $0xb8;
	[tilespmem:$0x19000] =	vst v63  }
0x4b: {  	s0 =	simm.s32 $0x4C00  }
0x4c: {  	[tilespmem:s0], [sflag:$0x1] =	stream.indirect_vreg.gather [hbm4b:s2+s3], $0x80, v3, vm0, $0xb8;
	[tilespmem:$0x19000] =	vst v63  }
0x4d: {  	s0 =	simm.s32 $0x5400  }
0x4e: {  	[tilespmem:s0], [sflag:$0x1] =	stream.indirect_vreg.gather [hbm4b:s5+s3], $0x80, v3, vm1, $0xb8;
	[tilespmem:$0x19000] =	vst v63  }
0x4f: {  	v3 =	vld [tilespmem:$0x30];
	_ =	sdelay $0x4  }
0x50: {  	v59 =	vshrl.u32 v3, $0x3  }
0x51: {  	v4 =	vmul.u32 $0x18, v59  }
0x52: {  	v3 =	vand.u32 $0x7, v3  }
0x53: {  	v3 =	vor.u32 v3, v4  }
0x54: {  	v4 =	vperm.xlane v3, v0;
	_ =	sdelay $0x1  }
0x55: {  	v4 =	vadd.s32 v1, v4;
	_ =	sdelay $0x1  }
0x56: {  	v3 =	vperm.xlane v3, v2;
	_ =	sdelay $0x1  }
0x57: {  	s0 =	simm.s32 $0x5800;
	v3 =	vadd.s32 v1, v3  }
0x58: {  	[tilespmem:s0], [sflag:$0x1] =	stream.indirect_vreg.gather [hbm4b:s2+s3], $0x80, v4, vm0, $0xb8;
	[tilespmem:$0x19000] =	vst v63  }
0x59: {  	s0 =	simm.s32 $0x6000  }
0x5a: {  	[tilespmem:s0], [sflag:$0x1] =	stream.indirect_vreg.gather [hbm4b:s5+s3], $0x80, v4, vm1, $0xb8;
	[tilespmem:$0x19000] =	vst v63  }
0x5b: {  	s0 =	simm.s32 $0x6400  }
0x5c: {  	[tilespmem:s0], [sflag:$0x1] =	stream.indirect_vreg.gather [hbm4b:s2+s3], $0x80, v3, vm0, $0xb8;
	[tilespmem:$0x19000] =	vst v63  }
0x5d: {  	s0 =	simm.s32 $0x6C00  }
0x5e: {  	[tilespmem:s0], [sflag:$0x1] =	stream.indirect_vreg.gather [hbm4b:s5+s3], $0x80, v3, vm1, $0xb8;
	[tilespmem:$0x19000] =	vst v63  }
0x5f: {  	v3 =	vld [tilespmem:$0x40];
	_ =	sdelay $0x4  }
0x60: {  	v60 =	vshrl.u32 v3, $0x3  }
0x61: {  	v4 =	vmul.u32 $0x18, v60  }
0x62: {  	v3 =	vand.u32 $0x7, v3  }
0x63: {  	v3 =	vor.u32 v3, v4  }
0x64: {  	v4 =	vperm.xlane v3, v0;
	_ =	sdelay $0x1  }
0x65: {  	v4 =	vadd.s32 v1, v4;
	_ =	sdelay $0x1  }
0x66: {  	v3 =	vperm.xlane v3, v2;
	_ =	sdelay $0x1  }
0x67: {  	s0 =	simm.s32 $0x7000;
	v3 =	vadd.s32 v1, v3  }
0x68: {  	[tilespmem:s0], [sflag:$0x1] =	stream.indirect_vreg.gather [hbm4b:s2+s3], $0x80, v4, vm0, $0xb8;
	[tilespmem:$0x19000] =	vst v63  }
0x69: {  	s0 =	simm.s32 $0x7800  }
0x6a: {  	[tilespmem:s0], [sflag:$0x1] =	stream.indirect_vreg.gather [hbm4b:s5+s3], $0x80, v4, vm1, $0xb8;
	[tilespmem:$0x19000] =	vst v63  }
0x6b: {  	s0 =	simm.s32 $0x7C00  }
0x6c: {  	[tilespmem:s0], [sflag:$0x1] =	stream.indirect_vreg.gather [hbm4b:s2+s3], $0x80, v3, vm0, $0xb8;
	[tilespmem:$0x19000] =	vst v63  }
0x6d: {  	s0 =	simm.s32 $0x8400  }
0x6e: {  	[tilespmem:s0], [sflag:$0x1] =	stream.indirect_vreg.gather [hbm4b:s5+s3], $0x80, v3, vm1, $0xb8;
	[tilespmem:$0x19000] =	vst v63  }
0x6f: {  	v3 =	vld [tilespmem:$0x50];
	_ =	sdelay $0x4  }
0x70: {  	v61 =	vshrl.u32 v3, $0x3  }
0x71: {  	v4 =	vmul.u32 $0x18, v61  }
0x72: {  	v3 =	vand.u32 $0x7, v3  }
0x73: {  	v3 =	vor.u32 v3, v4  }
0x74: {  	v4 =	vperm.xlane v3, v0;
	_ =	sdelay $0x1  }
0x75: {  	v4 =	vadd.s32 v1, v4;
	_ =	sdelay $0x1  }
0x76: {  	v3 =	vperm.xlane v3, v2;
	_ =	sdelay $0x1  }
0x77: {  	s0 =	simm.s32 $0x8800;
	v3 =	vadd.s32 v1, v3  }
0x78: {  	[tilespmem:s0], [sflag:$0x1] =	stream.indirect_vreg.gather [hbm4b:s2+s3], $0x80, v4, vm0, $0xb8;
	[tilespmem:$0x19000] =	vst v63  }
0x79: {  	s0 =	simm.s32 $0x9000  }
0x7a: {  	[tilespmem:s0], [sflag:$0x1] =	stream.indirect_vreg.gather [hbm4b:s5+s3], $0x80, v4, vm1, $0xb8;
	[tilespmem:$0x19000] =	vst v63  }
0x7b: {  	s0 =	simm.s32 $0x9400  }
0x7c: {  	[tilespmem:s0], [sflag:$0x1] =	stream.indirect_vreg.gather [hbm4b:s2+s3], $0x80, v3, vm0, $0xb8;
	[tilespmem:$0x19000] =	vst v63  }
0x7d: {  	s0 =	simm.s32 $0x9C00  }
0x7e: {  	[tilespmem:s0], [sflag:$0x1] =	stream.indirect_vreg.gather [hbm4b:s5+s3], $0x80, v3, vm1, $0xb8;
	[tilespmem:$0x19000] =	vst v63  }
0x7f: {  	v3 =	vld [tilespmem:$0x60];
	_ =	sdelay $0x4  }
0x80: {  	v62 =	vshrl.u32 v3, $0x3  }
0x81: {  	v4 =	vmul.u32 $0x18, v62  }
0x82: {  	v3 =	vand.u32 $0x7, v3  }
0x83: {  	v3 =	vor.u32 v3, v4  }
0x84: {  	v4 =	vperm.xlane v3, v0;
	_ =	sdelay $0x1  }
0x85: {  	v4 =	vadd.s32 v1, v4;
	_ =	sdelay $0x1  }
0x86: {  	v3 =	vperm.xlane v3, v2;
	_ =	sdelay $0x1  }
0x87: {  	s0 =	simm.s32 $0xA000;
	v3 =	vadd.s32 v1, v3  }
0x88: {  	[tilespmem:s0], [sflag:$0x1] =	stream.indirect_vreg.gather [hbm4b:s2+s3], $0x80, v4, vm0, $0xb8;
	[tilespmem:$0x19000] =	vst v63  }
0x89: {  	s0 =	simm.s32 $0xA800  }
0x8a: {  	[tilespmem:s0], [sflag:$0x1] =	stream.indirect_vreg.gather [hbm4b:s5+s3], $0x80, v4, vm1, $0xb8;
	[tilespmem:$0x19000] =	vst v63  }
0x8b: {  	s0 =	simm.s32 $0xAC00  }
0x8c: {  	[tilespmem:s0], [sflag:$0x1] =	stream.indirect_vreg.gather [hbm4b:s2+s3], $0x80, v3, vm0, $0xb8;
	[tilespmem:$0x19000] =	vst v63  }
0x8d: {  	s0 =	simm.s32 $0xB400  }
0x8e: {  	[tilespmem:s0], [sflag:$0x1] =	stream.indirect_vreg.gather [hbm4b:s5+s3], $0x80, v3, vm1, $0xb8;
	[tilespmem:$0x19000] =	vst v63  }
0x8f: {  	v3 =	vld [tilespmem:$0x70];
	_ =	sdelay $0x4  }
0x90: {  	v63 =	vshrl.u32 v3, $0x3  }
0x91: {  	v4 =	vmul.u32 $0x18, v63  }
0x92: {  	v3 =	vand.u32 $0x7, v3  }
0x93: {  	v3 =	vor.u32 v3, v4  }
0x94: {  	v4 =	vperm.xlane v3, v0;
	_ =	sdelay $0x1  }
0x95: {  	v4 =	vadd.s32 v1, v4;
	_ =	sdelay $0x2  }
0x96: {  	v3 =	vperm.xlane v3, v2  }
0x97: {  	s0 =	simm.s32 $0xB800  }
0x98: {  	v3 =	vadd.s32 v1, v3;
	[tilespmem:s0], [sflag:$0x1] =	stream.indirect_vreg.gather [hbm4b:s2+s3], $0x80, v4, vm0, $0xb8;
	[tilespmem:$0x19000] =	vst v63  }
0x99: {  	s0 =	simm.s32 $0xC000  }
0x9a: {  	[tilespmem:s0], [sflag:$0x1] =	stream.indirect_vreg.gather [hbm4b:s5+s3], $0x80, v4, vm1, $0xb8;
	[tilespmem:$0x19000] =	vst v63  }
.Ltmp2:
0x9b: {  	_ = 	snop;
	(pc) =	sbr.rel .LBB2_2-.Ltmp2, $4  }
0x9c: {  	s0 =	simm.s32 $0xC400  }
0x9d: {  	[tilespmem:s0], [sflag:$0x1] =	stream.indirect_vreg.gather [hbm4b:s2+s3], $0x80, v3, vm0, $0xb8;
	[tilespmem:$0x19000] =	vst v63  }
0x9e: {  	s30 =	simm.s32 $0xC0;
	s31 =	simm.s32 $0x0;
	s0 =	simm.s32 $0xCC00  }
0x9f: {  	[tilespmem:s0], [sflag:$0x1] =	stream.indirect_vreg.gather [hbm4b:s5+s3], $0x80, v3, vm1, $0xb8;
	[tilespmem:$0x19000] =	vst v63  }
.LBB2_4:
0xa0: {  	_ =	swait.ge [sflag:s29], $0xC000;
	s0 =	sadd.s32 s31, s7;
	s31 =	sadd.s32 $0x3000, s31  }
0xa1: {  	[sflag:s29] =	ssyncset.done $0x0;
	p0 =	sne.s32 s31, $0x30000  }
.Ltmp3:
0xa2: {  	[sflag:s29] =	ssyncadd.s32 $0xFFFF4000;
	(pc) =	sbr.rel @!p0 .LBB2_5-.Ltmp3, $4  }
0xa3: {  	[hbm4b:s0+s3] =	stream.linear.scatter [tilespmem:s18], [sflag:$0x3], $0xC000, $0x38;
	[tilespmem:$0x19000] =	vst v63  }
0xa4: {  	_ =	swait.ge [sflag:s9], $0xC000  }
0xa5: {  	[sflag:s9] =	ssyncset.done $0x0  }
0xa6: {  	s30 =	sadd.s32 $0x100, s30;
	[sflag:s9] =	ssyncadd.s32 $0xFFFF4000  }
.LBB2_2:
0xa7: {  	v3 =	vld [tilespmem:s30+$0xFFFFFFC0];
	_ =	sdelay $0x4  }
0xa8: {  	v4 =	vshrl.u32 v3, $0x3  }
0xa9: {  	v4 =	vmul.u32 $0x18, v4  }
0xaa: {  	v3 =	vand.u32 $0x7, v3  }
0xab: {  	v3 =	vor.u32 v3, v4  }
0xac: {  	v4 =	vperm.xlane v3, v0;
	_ =	sdelay $0x1  }
0xad: {  	v4 =	vadd.s32 v1, v4;
	_ =	sdelay $0x1  }
0xae: {  	v3 =	vperm.xlane v3, v2;
	_ =	sdelay $0x1  }
0xaf: {  	v3 =	vadd.s32 v1, v3  }
0xb0: {  	[tilespmem:s18], [sflag:$0x2] =	stream.indirect_vreg.gather [hbm4b:s2+s3], $0x80, v4, vm0, $0xb8;
	[tilespmem:$0x19000] =	vst v63  }
0xb1: {  	s0 =	simm.s32 $0xD800  }
0xb2: {  	[tilespmem:s0], [sflag:$0x2] =	stream.indirect_vreg.gather [hbm4b:s5+s3], $0x80, v4, vm1, $0xb8;
	[tilespmem:$0x19000] =	vst v63  }
0xb3: {  	s0 =	simm.s32 $0xDC00  }
0xb4: {  	[tilespmem:s0], [sflag:$0x2] =	stream.indirect_vreg.gather [hbm4b:s2+s3], $0x80, v3, vm0, $0xb8;
	[tilespmem:$0x19000] =	vst v63  }
0xb5: {  	s0 =	simm.s32 $0xE400  }
0xb6: {  	[tilespmem:s0], [sflag:$0x2] =	stream.indirect_vreg.gather [hbm4b:s5+s3], $0x80, v3, vm1, $0xb8;
	[tilespmem:$0x19000] =	vst v63  }
0xb7: {  	v3 =	vld [tilespmem:s30+$0xFFFFFFD0];
	_ =	sdelay $0x4  }
0xb8: {  	v57 =	vshrl.u32 v3, $0x3  }
0xb9: {  	v4 =	vmul.u32 $0x18, v57  }
0xba: {  	v3 =	vand.u32 $0x7, v3  }
0xbb: {  	v3 =	vor.u32 v3, v4  }
0xbc: {  	v4 =	vperm.xlane v3, v0;
	_ =	sdelay $0x1  }
0xbd: {  	v4 =	vadd.s32 v1, v4;
	_ =	sdelay $0x1  }
0xbe: {  	v3 =	vperm.xlane v3, v2;
	_ =	sdelay $0x1  }
0xbf: {  	s0 =	simm.s32 $0xE800;
	v3 =	vadd.s32 v1, v3  }
0xc0: {  	[tilespmem:s0], [sflag:$0x2] =	stream.indirect_vreg.gather [hbm4b:s2+s3], $0x80, v4, vm0, $0xb8;
	[tilespmem:$0x19000] =	vst v63  }
0xc1: {  	s0 =	simm.s32 $0xF000  }
0xc2: {  	[tilespmem:s0], [sflag:$0x2] =	stream.indirect_vreg.gather [hbm4b:s5+s3], $0x80, v4, vm1, $0xb8;
	[tilespmem:$0x19000] =	vst v63  }
0xc3: {  	s0 =	simm.s32 $0xF400  }
0xc4: {  	[tilespmem:s0], [sflag:$0x2] =	stream.indirect_vreg.gather [hbm4b:s2+s3], $0x80, v3, vm0, $0xb8;
	[tilespmem:$0x19000] =	vst v63  }
0xc5: {  	s0 =	simm.s32 $0xFC00  }
0xc6: {  	[tilespmem:s0], [sflag:$0x2] =	stream.indirect_vreg.gather [hbm4b:s5+s3], $0x80, v3, vm1, $0xb8;
	[tilespmem:$0x19000] =	vst v63  }
0xc7: {  	v3 =	vld [tilespmem:s30+$0xFFFFFFE0];
	_ =	sdelay $0x4  }
0xc8: {  	v58 =	vshrl.u32 v3, $0x3  }
0xc9: {  	v4 =	vmul.u32 $0x18, v58  }
0xca: {  	v3 =	vand.u32 $0x7, v3  }
0xcb: {  	v3 =	vor.u32 v3, v4  }
0xcc: {  	v4 =	vperm.xlane v3, v0;
	_ =	sdelay $0x1  }
0xcd: {  	v4 =	vadd.s32 v1, v4;
	_ =	sdelay $0x1  }
0xce: {  	v3 =	vperm.xlane v3, v2;
	_ =	sdelay $0x1  }
0xcf: {  	s0 =	simm.s32 $0x10000;
	v3 =	vadd.s32 v1, v3  }
0xd0: {  	[tilespmem:s0], [sflag:$0x2] =	stream.indirect_vreg.gather [hbm4b:s2+s3], $0x80, v4, vm0, $0xb8;
	[tilespmem:$0x19000] =	vst v63  }
0xd1: {  	s0 =	simm.s32 $0x10800  }
0xd2: {  	[tilespmem:s0], [sflag:$0x2] =	stream.indirect_vreg.gather [hbm4b:s5+s3], $0x80, v4, vm1, $0xb8;
	[tilespmem:$0x19000] =	vst v63  }
0xd3: {  	s0 =	simm.s32 $0x10C00  }
0xd4: {  	[tilespmem:s0], [sflag:$0x2] =	stream.indirect_vreg.gather [hbm4b:s2+s3], $0x80, v3, vm0, $0xb8;
	[tilespmem:$0x19000] =	vst v63  }
0xd5: {  	s0 =	simm.s32 $0x11400  }
0xd6: {  	[tilespmem:s0], [sflag:$0x2] =	stream.indirect_vreg.gather [hbm4b:s5+s3], $0x80, v3, vm1, $0xb8;
	[tilespmem:$0x19000] =	vst v63  }
0xd7: {  	v3 =	vld [tilespmem:s30+$0xFFFFFFF0];
	_ =	sdelay $0x4  }
0xd8: {  	v59 =	vshrl.u32 v3, $0x3  }
0xd9: {  	v4 =	vmul.u32 $0x18, v59  }
0xda: {  	v3 =	vand.u32 $0x7, v3  }
0xdb: {  	v3 =	vor.u32 v3, v4  }
0xdc: {  	v4 =	vperm.xlane v3, v0;
	_ =	sdelay $0x1  }
0xdd: {  	v4 =	vadd.s32 v1, v4;
	_ =	sdelay $0x1  }
0xde: {  	v3 =	vperm.xlane v3, v2;
	_ =	sdelay $0x1  }
0xdf: {  	s0 =	simm.s32 $0x11800;
	v3 =	vadd.s32 v1, v3  }
0xe0: {  	[tilespmem:s0], [sflag:$0x2] =	stream.indirect_vreg.gather [hbm4b:s2+s3], $0x80, v4, vm0, $0xb8;
	[tilespmem:$0x19000] =	vst v63  }
0xe1: {  	s0 =	simm.s32 $0x12000  }
0xe2: {  	[tilespmem:s0], [sflag:$0x2] =	stream.indirect_vreg.gather [hbm4b:s5+s3], $0x80, v4, vm1, $0xb8;
	[tilespmem:$0x19000] =	vst v63  }
0xe3: {  	_ = 	snop  }
0xe4: {  	[tilespmem:s1], [sflag:$0x2] =	stream.indirect_vreg.gather [hbm4b:s2+s3], $0x80, v3, vm0, $0xb8;
	[tilespmem:$0x19000] =	vst v63  }
0xe5: {  	_ = 	snop  }
0xe6: {  	[tilespmem:s4], [sflag:$0x2] =	stream.indirect_vreg.gather [hbm4b:s5+s3], $0x80, v3, vm1, $0xb8;
	[tilespmem:$0x19000] =	vst v63  }
0xe7: {  	v3 =	vld [tilespmem:s30+$0x0];
	_ =	sdelay $0x4  }
0xe8: {  	v60 =	vshrl.u32 v3, $0x3  }
0xe9: {  	v4 =	vmul.u32 $0x18, v60  }
0xea: {  	v3 =	vand.u32 $0x7, v3  }
0xeb: {  	v3 =	vor.u32 v3, v4  }
0xec: {  	v4 =	vperm.xlane v3, v0;
	_ =	sdelay $0x1  }
0xed: {  	v4 =	vadd.s32 v1, v4;
	_ =	sdelay $0x1  }
0xee: {  	v3 =	vperm.xlane v3, v2;
	_ =	sdelay $0x1  }
0xef: {  	v3 =	vadd.s32 v1, v3  }
0xf0: {  	[tilespmem:s6], [sflag:$0x2] =	stream.indirect_vreg.gather [hbm4b:s2+s3], $0x80, v4, vm0, $0xb8;
	[tilespmem:$0x19000] =	vst v63  }
0xf1: {  	_ = 	snop  }
0xf2: {  	[tilespmem:s11], [sflag:$0x2] =	stream.indirect_vreg.gather [hbm4b:s5+s3], $0x80, v4, vm1, $0xb8;
	[tilespmem:$0x19000] =	vst v63  }
0xf3: {  	_ = 	snop  }
0xf4: {  	[tilespmem:s12], [sflag:$0x2] =	stream.indirect_vreg.gather [hbm4b:s2+s3], $0x80, v3, vm0, $0xb8;
	[tilespmem:$0x19000] =	vst v63  }
0xf5: {  	_ = 	snop  }
0xf6: {  	[tilespmem:s13], [sflag:$0x2] =	stream.indirect_vreg.gather [hbm4b:s5+s3], $0x80, v3, vm1, $0xb8;
	[tilespmem:$0x19000] =	vst v63  }
0xf7: {  	v3 =	vld [tilespmem:s30+$0x10];
	_ =	sdelay $0x4  }
0xf8: {  	v61 =	vshrl.u32 v3, $0x3  }
0xf9: {  	v4 =	vmul.u32 $0x18, v61  }
0xfa: {  	v3 =	vand.u32 $0x7, v3  }
0xfb: {  	v3 =	vor.u32 v3, v4  }
0xfc: {  	v4 =	vperm.xlane v3, v0;
	_ =	sdelay $0x1  }
0xfd: {  	v4 =	vadd.s32 v1, v4;
	_ =	sdelay $0x1  }
0xfe: {  	v3 =	vperm.xlane v3, v2;
	_ =	sdelay $0x1  }
0xff: {  	v3 =	vadd.s32 v1, v3  }
0x100: {  	[tilespmem:s14], [sflag:$0x2] =	stream.indirect_vreg.gather [hbm4b:s2+s3], $0x80, v4, vm0, $0xb8;
	[tilespmem:$0x19000] =	vst v63  }
0x101: {  	_ = 	snop  }
0x102: {  	[tilespmem:s15], [sflag:$0x2] =	stream.indirect_vreg.gather [hbm4b:s5+s3], $0x80, v4, vm1, $0xb8;
	[tilespmem:$0x19000] =	vst v63  }
0x103: {  	_ = 	snop  }
0x104: {  	[tilespmem:s16], [sflag:$0x2] =	stream.indirect_vreg.gather [hbm4b:s2+s3], $0x80, v3, vm0, $0xb8;
	[tilespmem:$0x19000] =	vst v63  }
0x105: {  	_ = 	snop  }
0x106: {  	[tilespmem:s17], [sflag:$0x2] =	stream.indirect_vreg.gather [hbm4b:s5+s3], $0x80, v3, vm1, $0xb8;
	[tilespmem:$0x19000] =	vst v63  }
0x107: {  	v3 =	vld [tilespmem:s30+$0x20];
	_ =	sdelay $0x4  }
0x108: {  	v62 =	vshrl.u32 v3, $0x3  }
0x109: {  	v4 =	vmul.u32 $0x18, v62  }
0x10a: {  	v3 =	vand.u32 $0x7, v3  }
0x10b: {  	v3 =	vor.u32 v3, v4  }
0x10c: {  	v4 =	vperm.xlane v3, v0;
	_ =	sdelay $0x1  }
0x10d: {  	v4 =	vadd.s32 v1, v4;
	_ =	sdelay $0x1  }
0x10e: {  	v3 =	vperm.xlane v3, v2;
	_ =	sdelay $0x1  }
0x10f: {  	v3 =	vadd.s32 v1, v3  }
0x110: {  	[tilespmem:s19], [sflag:$0x2] =	stream.indirect_vreg.gather [hbm4b:s2+s3], $0x80, v4, vm0, $0xb8;
	[tilespmem:$0x19000] =	vst v63  }
0x111: {  	_ = 	snop  }
0x112: {  	[tilespmem:s20], [sflag:$0x2] =	stream.indirect_vreg.gather [hbm4b:s5+s3], $0x80, v4, vm1, $0xb8;
	[tilespmem:$0x19000] =	vst v63  }
0x113: {  	_ = 	snop  }
0x114: {  	[tilespmem:s21], [sflag:$0x2] =	stream.indirect_vreg.gather [hbm4b:s2+s3], $0x80, v3, vm0, $0xb8;
	[tilespmem:$0x19000] =	vst v63  }
0x115: {  	_ = 	snop  }
0x116: {  	[tilespmem:s22], [sflag:$0x2] =	stream.indirect_vreg.gather [hbm4b:s5+s3], $0x80, v3, vm1, $0xb8;
	[tilespmem:$0x19000] =	vst v63  }
0x117: {  	v3 =	vld [tilespmem:s30+$0x30];
	_ =	sdelay $0x4  }
0x118: {  	v63 =	vshrl.u32 v3, $0x3  }
0x119: {  	v4 =	vmul.u32 $0x18, v63  }
0x11a: {  	v3 =	vand.u32 $0x7, v3  }
0x11b: {  	v3 =	vor.u32 v3, v4  }
0x11c: {  	v4 =	vperm.xlane v3, v0;
	_ =	sdelay $0x1  }
0x11d: {  	v4 =	vadd.s32 v1, v4;
	_ =	sdelay $0x1  }
0x11e: {  	v3 =	vperm.xlane v3, v2;
	_ =	sdelay $0x1  }
0x11f: {  	v3 =	vadd.s32 v1, v3  }
0x120: {  	[tilespmem:s23], [sflag:$0x2] =	stream.indirect_vreg.gather [hbm4b:s2+s3], $0x80, v4, vm0, $0xb8;
	[tilespmem:$0x19000] =	vst v63  }
0x121: {  	_ = 	snop  }
0x122: {  	[tilespmem:s24], [sflag:$0x2] =	stream.indirect_vreg.gather [hbm4b:s5+s3], $0x80, v4, vm1, $0xb8;
	[tilespmem:$0x19000] =	vst v63  }
0x123: {  	_ = 	snop  }
0x124: {  	[tilespmem:s25], [sflag:$0x2] =	stream.indirect_vreg.gather [hbm4b:s2+s3], $0x80, v3, vm0, $0xb8;
	[tilespmem:$0x19000] =	vst v63  }
0x125: {  	_ = 	snop  }
0x126: {  	[tilespmem:s26], [sflag:$0x2] =	stream.indirect_vreg.gather [hbm4b:s5+s3], $0x80, v3, vm1, $0xb8;
	[tilespmem:$0x19000] =	vst v63  }
0x127: {  	_ =	swait.ge [sflag:s28], $0xC000  }
0x128: {  	p0 =	seq.s32 s31, $0x2D000;
	[sflag:s28] =	ssyncset.done $0x0  }
.Ltmp4:
0x129: {  	s0 =	sadd.s32 s31, s8;
	[sflag:s28] =	ssyncadd.s32 $0xFFFF4000;
	(pc) =	sbr.rel @p0 .LBB2_4-.Ltmp4, $4  }
0x12a: {  	[hbm4b:s0+s3] =	stream.linear.scatter [tilespmem:s10], [sflag:$0x3], $0xC000, $0x38;
	[tilespmem:$0x19000] =	vst v63  }
0x12b: {  	_ =	swait.ge [sflag:s9], $0xC000  }
0x12c: {  	[sflag:s9] =	ssyncset.done $0x0  }
0x12d: {  	[sflag:s9] =	ssyncadd.s32 $0xFFFF4000  }
0x12e: {  	v3 =	vld [tilespmem:s30+$0x40];
	_ =	sdelay $0x4  }
0x12f: {  	v4 =	vshrl.u32 v3, $0x3  }
0x130: {  	v4 =	vmul.u32 $0x18, v4  }
0x131: {  	v3 =	vand.u32 $0x7, v3  }
0x132: {  	v3 =	vor.u32 v3, v4  }
0x133: {  	v4 =	vperm.xlane v3, v0;
	_ =	sdelay $0x1  }
0x134: {  	v4 =	vadd.s32 v1, v4;
	_ =	sdelay $0x1  }
0x135: {  	v3 =	vperm.xlane v3, v2;
	_ =	sdelay $0x1  }
0x136: {  	v3 =	vadd.s32 v1, v3  }
0x137: {  	[tilespmem:s10], [sflag:$0x1] =	stream.indirect_vreg.gather [hbm4b:s2+s3], $0x80, v4, vm0, $0xb8;
	[tilespmem:$0x19000] =	vst v63  }
0x138: {  	s0 =	simm.s32 $0x1800  }
0x139: {  	[tilespmem:s0], [sflag:$0x1] =	stream.indirect_vreg.gather [hbm4b:s5+s3], $0x80, v4, vm1, $0xb8;
	[tilespmem:$0x19000] =	vst v63  }
0x13a: {  	s0 =	simm.s32 $0x1C00  }
0x13b: {  	[tilespmem:s0], [sflag:$0x1] =	stream.indirect_vreg.gather [hbm4b:s2+s3], $0x80, v3, vm0, $0xb8;
	[tilespmem:$0x19000] =	vst v63  }
0x13c: {  	s0 =	simm.s32 $0x2400  }
0x13d: {  	[tilespmem:s0], [sflag:$0x1] =	stream.indirect_vreg.gather [hbm4b:s5+s3], $0x80, v3, vm1, $0xb8;
	[tilespmem:$0x19000] =	vst v63  }
0x13e: {  	v3 =	vld [tilespmem:s30+$0x50];
	_ =	sdelay $0x4  }
0x13f: {  	v57 =	vshrl.u32 v3, $0x3  }
0x140: {  	v4 =	vmul.u32 $0x18, v57  }
0x141: {  	v3 =	vand.u32 $0x7, v3  }
0x142: {  	v3 =	vor.u32 v3, v4  }
0x143: {  	v4 =	vperm.xlane v3, v0;
	_ =	sdelay $0x1  }
0x144: {  	v4 =	vadd.s32 v1, v4;
	_ =	sdelay $0x1  }
0x145: {  	v3 =	vperm.xlane v3, v2;
	_ =	sdelay $0x1  }
0x146: {  	s0 =	simm.s32 $0x2800;
	v3 =	vadd.s32 v1, v3  }
0x147: {  	[tilespmem:s0], [sflag:$0x1] =	stream.indirect_vreg.gather [hbm4b:s2+s3], $0x80, v4, vm0, $0xb8;
	[tilespmem:$0x19000] =	vst v63  }
0x148: {  	s0 =	simm.s32 $0x3000  }
0x149: {  	[tilespmem:s0], [sflag:$0x1] =	stream.indirect_vreg.gather [hbm4b:s5+s3], $0x80, v4, vm1, $0xb8;
	[tilespmem:$0x19000] =	vst v63  }
0x14a: {  	s0 =	simm.s32 $0x3400  }
0x14b: {  	[tilespmem:s0], [sflag:$0x1] =	stream.indirect_vreg.gather [hbm4b:s2+s3], $0x80, v3, vm0, $0xb8;
	[tilespmem:$0x19000] =	vst v63  }
0x14c: {  	s0 =	simm.s32 $0x3C00  }
0x14d: {  	[tilespmem:s0], [sflag:$0x1] =	stream.indirect_vreg.gather [hbm4b:s5+s3], $0x80, v3, vm1, $0xb8;
	[tilespmem:$0x19000] =	vst v63  }
0x14e: {  	v3 =	vld [tilespmem:s30+$0x60];
	_ =	sdelay $0x4  }
0x14f: {  	v58 =	vshrl.u32 v3, $0x3  }
0x150: {  	v4 =	vmul.u32 $0x18, v58  }
0x151: {  	v3 =	vand.u32 $0x7, v3  }
0x152: {  	v3 =	vor.u32 v3, v4  }
0x153: {  	v4 =	vperm.xlane v3, v0;
	_ =	sdelay $0x1  }
0x154: {  	v4 =	vadd.s32 v1, v4;
	_ =	sdelay $0x1  }
0x155: {  	v3 =	vperm.xlane v3, v2;
	_ =	sdelay $0x1  }
0x156: {  	s0 =	simm.s32 $0x4000;
	v3 =	vadd.s32 v1, v3  }
0x157: {  	[tilespmem:s0], [sflag:$0x1] =	stream.indirect_vreg.gather [hbm4b:s2+s3], $0x80, v4, vm0, $0xb8;
	[tilespmem:$0x19000] =	vst v63  }
0x158: {  	s0 =	simm.s32 $0x4800  }
0x159: {  	[tilespmem:s0], [sflag:$0x1] =	stream.indirect_vreg.gather [hbm4b:s5+s3], $0x80, v4, vm1, $0xb8;
	[tilespmem:$0x19000] =	vst v63  }
0x15a: {  	s0 =	simm.s32 $0x4C00  }
0x15b: {  	[tilespmem:s0], [sflag:$0x1] =	stream.indirect_vreg.gather [hbm4b:s2+s3], $0x80, v3, vm0, $0xb8;
	[tilespmem:$0x19000] =	vst v63  }
0x15c: {  	s0 =	simm.s32 $0x5400  }
0x15d: {  	[tilespmem:s0], [sflag:$0x1] =	stream.indirect_vreg.gather [hbm4b:s5+s3], $0x80, v3, vm1, $0xb8;
	[tilespmem:$0x19000] =	vst v63  }
0x15e: {  	v3 =	vld [tilespmem:s30+$0x70];
	_ =	sdelay $0x4  }
0x15f: {  	v59 =	vshrl.u32 v3, $0x3  }
0x160: {  	v4 =	vmul.u32 $0x18, v59  }
0x161: {  	v3 =	vand.u32 $0x7, v3  }
0x162: {  	v3 =	vor.u32 v3, v4  }
0x163: {  	v4 =	vperm.xlane v3, v0;
	_ =	sdelay $0x1  }
0x164: {  	v4 =	vadd.s32 v1, v4;
	_ =	sdelay $0x1  }
0x165: {  	v3 =	vperm.xlane v3, v2;
	_ =	sdelay $0x1  }
0x166: {  	s0 =	simm.s32 $0x5800;
	v3 =	vadd.s32 v1, v3  }
0x167: {  	[tilespmem:s0], [sflag:$0x1] =	stream.indirect_vreg.gather [hbm4b:s2+s3], $0x80, v4, vm0, $0xb8;
	[tilespmem:$0x19000] =	vst v63  }
0x168: {  	s0 =	simm.s32 $0x6000  }
0x169: {  	[tilespmem:s0], [sflag:$0x1] =	stream.indirect_vreg.gather [hbm4b:s5+s3], $0x80, v4, vm1, $0xb8;
	[tilespmem:$0x19000] =	vst v63  }
0x16a: {  	s0 =	simm.s32 $0x6400  }
0x16b: {  	[tilespmem:s0], [sflag:$0x1] =	stream.indirect_vreg.gather [hbm4b:s2+s3], $0x80, v3, vm0, $0xb8;
	[tilespmem:$0x19000] =	vst v63  }
0x16c: {  	s0 =	simm.s32 $0x6C00  }
0x16d: {  	[tilespmem:s0], [sflag:$0x1] =	stream.indirect_vreg.gather [hbm4b:s5+s3], $0x80, v3, vm1, $0xb8;
	[tilespmem:$0x19000] =	vst v63  }
0x16e: {  	v3 =	vld [tilespmem:s30+$0x80];
	_ =	sdelay $0x4  }
0x16f: {  	v60 =	vshrl.u32 v3, $0x3  }
0x170: {  	v4 =	vmul.u32 $0x18, v60  }
0x171: {  	v3 =	vand.u32 $0x7, v3  }
0x172: {  	v3 =	vor.u32 v3, v4  }
0x173: {  	v4 =	vperm.xlane v3, v0;
	_ =	sdelay $0x1  }
0x174: {  	v4 =	vadd.s32 v1, v4;
	_ =	sdelay $0x1  }
0x175: {  	v3 =	vperm.xlane v3, v2;
	_ =	sdelay $0x1  }
0x176: {  	s0 =	simm.s32 $0x7000;
	v3 =	vadd.s32 v1, v3  }
0x177: {  	[tilespmem:s0], [sflag:$0x1] =	stream.indirect_vreg.gather [hbm4b:s2+s3], $0x80, v4, vm0, $0xb8;
	[tilespmem:$0x19000] =	vst v63  }
0x178: {  	s0 =	simm.s32 $0x7800  }
0x179: {  	[tilespmem:s0], [sflag:$0x1] =	stream.indirect_vreg.gather [hbm4b:s5+s3], $0x80, v4, vm1, $0xb8;
	[tilespmem:$0x19000] =	vst v63  }
0x17a: {  	s0 =	simm.s32 $0x7C00  }
0x17b: {  	[tilespmem:s0], [sflag:$0x1] =	stream.indirect_vreg.gather [hbm4b:s2+s3], $0x80, v3, vm0, $0xb8;
	[tilespmem:$0x19000] =	vst v63  }
0x17c: {  	s0 =	simm.s32 $0x8400  }
0x17d: {  	[tilespmem:s0], [sflag:$0x1] =	stream.indirect_vreg.gather [hbm4b:s5+s3], $0x80, v3, vm1, $0xb8;
	[tilespmem:$0x19000] =	vst v63  }
0x17e: {  	v3 =	vld [tilespmem:s30+$0x90];
	_ =	sdelay $0x4  }
0x17f: {  	v61 =	vshrl.u32 v3, $0x3  }
0x180: {  	v4 =	vmul.u32 $0x18, v61  }
0x181: {  	v3 =	vand.u32 $0x7, v3  }
0x182: {  	v3 =	vor.u32 v3, v4  }
0x183: {  	v4 =	vperm.xlane v3, v0;
	_ =	sdelay $0x1  }
0x184: {  	v4 =	vadd.s32 v1, v4;
	_ =	sdelay $0x1  }
0x185: {  	v3 =	vperm.xlane v3, v2;
	_ =	sdelay $0x1  }
0x186: {  	s0 =	simm.s32 $0x8800;
	v3 =	vadd.s32 v1, v3  }
0x187: {  	[tilespmem:s0], [sflag:$0x1] =	stream.indirect_vreg.gather [hbm4b:s2+s3], $0x80, v4, vm0, $0xb8;
	[tilespmem:$0x19000] =	vst v63  }
0x188: {  	s0 =	simm.s32 $0x9000  }
0x189: {  	[tilespmem:s0], [sflag:$0x1] =	stream.indirect_vreg.gather [hbm4b:s5+s3], $0x80, v4, vm1, $0xb8;
	[tilespmem:$0x19000] =	vst v63  }
0x18a: {  	s0 =	simm.s32 $0x9400  }
0x18b: {  	[tilespmem:s0], [sflag:$0x1] =	stream.indirect_vreg.gather [hbm4b:s2+s3], $0x80, v3, vm0, $0xb8;
	[tilespmem:$0x19000] =	vst v63  }
0x18c: {  	s0 =	simm.s32 $0x9C00  }
0x18d: {  	[tilespmem:s0], [sflag:$0x1] =	stream.indirect_vreg.gather [hbm4b:s5+s3], $0x80, v3, vm1, $0xb8;
	[tilespmem:$0x19000] =	vst v63  }
0x18e: {  	v3 =	vld [tilespmem:s30+$0xA0];
	_ =	sdelay $0x4  }
0x18f: {  	v62 =	vshrl.u32 v3, $0x3  }
0x190: {  	v4 =	vmul.u32 $0x18, v62  }
0x191: {  	v3 =	vand.u32 $0x7, v3  }
0x192: {  	v3 =	vor.u32 v3, v4  }
0x193: {  	v4 =	vperm.xlane v3, v0;
	_ =	sdelay $0x1  }
0x194: {  	v4 =	vadd.s32 v1, v4;
	_ =	sdelay $0x1  }
0x195: {  	v3 =	vperm.xlane v3, v2;
	_ =	sdelay $0x1  }
0x196: {  	s0 =	simm.s32 $0xA000;
	v3 =	vadd.s32 v1, v3  }
0x197: {  	[tilespmem:s0], [sflag:$0x1] =	stream.indirect_vreg.gather [hbm4b:s2+s3], $0x80, v4, vm0, $0xb8;
	[tilespmem:$0x19000] =	vst v63  }
0x198: {  	s0 =	simm.s32 $0xA800  }
0x199: {  	[tilespmem:s0], [sflag:$0x1] =	stream.indirect_vreg.gather [hbm4b:s5+s3], $0x80, v4, vm1, $0xb8;
	[tilespmem:$0x19000] =	vst v63  }
0x19a: {  	s0 =	simm.s32 $0xAC00  }
0x19b: {  	[tilespmem:s0], [sflag:$0x1] =	stream.indirect_vreg.gather [hbm4b:s2+s3], $0x80, v3, vm0, $0xb8;
	[tilespmem:$0x19000] =	vst v63  }
0x19c: {  	s0 =	simm.s32 $0xB400  }
0x19d: {  	[tilespmem:s0], [sflag:$0x1] =	stream.indirect_vreg.gather [hbm4b:s5+s3], $0x80, v3, vm1, $0xb8;
	[tilespmem:$0x19000] =	vst v63  }
0x19e: {  	v3 =	vld [tilespmem:s30+$0xB0];
	_ =	sdelay $0x4  }
0x19f: {  	v63 =	vshrl.u32 v3, $0x3  }
0x1a0: {  	v4 =	vmul.u32 $0x18, v63  }
0x1a1: {  	v3 =	vand.u32 $0x7, v3  }
0x1a2: {  	v3 =	vor.u32 v3, v4  }
0x1a3: {  	v4 =	vperm.xlane v3, v0;
	_ =	sdelay $0x1  }
0x1a4: {  	v4 =	vadd.s32 v1, v4;
	_ =	sdelay $0x2  }
0x1a5: {  	v3 =	vperm.xlane v3, v2  }
0x1a6: {  	s0 =	simm.s32 $0xB800  }
0x1a7: {  	v3 =	vadd.s32 v1, v3;
	[tilespmem:s0], [sflag:$0x1] =	stream.indirect_vreg.gather [hbm4b:s2+s3], $0x80, v4, vm0, $0xb8;
	[tilespmem:$0x19000] =	vst v63  }
0x1a8: {  	s0 =	simm.s32 $0xC000  }
0x1a9: {  	[tilespmem:s0], [sflag:$0x1] =	stream.indirect_vreg.gather [hbm4b:s5+s3], $0x80, v4, vm1, $0xb8;
	[tilespmem:$0x19000] =	vst v63  }
.Ltmp5:
0x1aa: {  	_ = 	snop;
	(pc) =	sbr.rel .LBB2_4-.Ltmp5, $4  }
0x1ab: {  	s0 =	simm.s32 $0xC400  }
0x1ac: {  	[tilespmem:s0], [sflag:$0x1] =	stream.indirect_vreg.gather [hbm4b:s2+s3], $0x80, v3, vm0, $0xb8;
	[tilespmem:$0x19000] =	vst v63  }
0x1ad: {  	s0 =	simm.s32 $0xCC00  }
0x1ae: {  	[tilespmem:s0], [sflag:$0x1] =	stream.indirect_vreg.gather [hbm4b:s5+s3], $0x80, v3, vm1, $0xb8;
	[tilespmem:$0x19000] =	vst v63  }
.LBB2_6:
0x1af: {  	_ =	sfence.sel $0x180000  }
0x1b0: {  	[bflag:$0x0] =	sbarrier.arrive $0xFFFF  }
0x1b1: {  	_ =	strace $0x90000047  }
0x1b2: {  	s0 =	stileid.u32;
	[bflag:$0x2] =	sbarrier.arrive $0xFFFF  }
0x1b3: {  	p0 =	sne.s32 s0, $0x0;
	s0 =	rddreg [dreg:$0x2]  }
0x1b4: {  	s0 =	sadd.s32 @!p0 $0x100000, s0  }
0x1b5: {  	[sflag:s0] =	ssyncadd.tile.s32 @!p0 $0x1;
	_ =	shalt  }
.Lfunc_end2:
_tile_overlayer_lowered:
.L_overlay_start_2:
0x1b6: {  	(tag) =	ssettag $0x2  }
0x1b7: {  	s0 =	rddreg [dreg:$0x0];
	s2 =	stileid.u32  }
0x1b8: {  	s1 =	rddreg [dreg:$0x1];
	p0 =	sne.s32 s2, $0x0  }
0x1b9: {  	s3 =	rddreg [dreg:$0x2];
	[bflag:$0x3] =	sbarrier.arrive $0xFFFF;
	s2 =	simm.s32 @!p0 $0x1C03  }
0x1ba: {  	[timem:s3], [sflag:s2] =	dma.local @!p0 [hbm:s0], s1  }
0x1bb: {  	s0 =	simm.s32 @!p0 $0x3  }
0x1bc: {  	_ =	swait.ge @!p0 [sflag:s0], s1  }
0x1bd: {  	s1 =	ssub.s32 @!p0 $0x0, s1;
	[sflag:s0] =	ssyncset.done @!p0 $0x0  }
0x1be: {  	[sflag:s0] =	ssyncadd.s32 @!p0 s1  }
0x1bf: {  	[bflag:$0x3] =	sbarrier.arrive $0xFFFF  }
0x1c0: {  	_ =	shalt  }

</sc_bundles>
